<compile_context>
chip_gen: v7x
topology: tpu7x:2x2x1
jax: 0.10.2.dev20260603
libtpu: 0.0.44.dev20260713+nightly
codegen_flags: <defaults>
</compile_context>

<pallas_src>
import functools

import jax
import jax.numpy as jnp
from jax import lax
from jax.experimental import pallas as pl
from jax.experimental.pallas import tpu as pltpu
from jax.experimental.pallas import tpu_sc as plsc

B = 16384
NF = 32
PACK = 128 // NF
EPS = 1e-5

_NC = 2
_NS = 16
_NW = _NC * _NS
_BPW = B // _NW
_CHUNK = 128
_NCHUNK = _BPW // _CHUNK


_SEG = 4096


def _tc_repack(tt):
    V = tt.shape[1]
    grid = (V + PACK * _SEG - 1) // (PACK * _SEG)

    def body(i0_ref, i1_ref, i2_ref, i3_ref, out_ref):
        for q, r in enumerate((i0_ref, i1_ref, i2_ref, i3_ref)):
            out_ref[:, q * NF:(q + 1) * NF] = r[...].T

    last = (V - 1) // _SEG

    def spec(q):
        return pl.BlockSpec(
            (NF, _SEG), lambda i: (0, jnp.minimum(PACK * i + q, last)))

    return pl.pallas_call(
        body,
        grid=(grid,),
        in_specs=[spec(0), spec(1), spec(2), spec(3)],
        out_specs=pl.BlockSpec((_SEG, 128), lambda i: (i, 0)),
        out_shape=jax.ShapeDtypeStruct((grid * _SEG, 128), jnp.float32),
        compiler_params=pltpu.CompilerParams(
            dimension_semantics=("parallel",),
            fuse_transposed_lhs_in_matmul=True),
    )(tt, tt, tt, tt)


def _sc_gather4(ug_p, eg_p, um_p, em_p, upid2d, epid2d):
    mesh = plsc.VectorSubcoreMesh(core_axis_name="c", subcore_axis_name="s")
    row_t = jax.ShapeDtypeStruct((B, 128), jnp.float32)

    @functools.partial(
        pl.kernel,
        out_type=(row_t, row_t, row_t, row_t),
        mesh=mesh,
        compiler_params=pltpu.CompilerParams(use_tc_tiling_on_sc=False),
        scratch_types=[
            pltpu.VMEM((_NCHUNK, _CHUNK), jnp.int32),
            pltpu.VMEM((_NCHUNK, _CHUNK), jnp.int32),
            pltpu.VMEM((_CHUNK, 128), jnp.float32),
            pltpu.VMEM((_CHUNK, 128), jnp.float32),
            pltpu.VMEM((_CHUNK, 128), jnp.float32),
            pltpu.VMEM((_CHUNK, 128), jnp.float32),
            pltpu.SemaphoreType.DMA,
            pltpu.SemaphoreType.DMA,
            pltpu.SemaphoreType.DMA,
            pltpu.SemaphoreType.DMA,
        ],
    )
    def k(ug_hbm, eg_hbm, um_hbm, em_hbm, uid_hbm, eid_hbm,
          oug_hbm, oeg_hbm, oum_hbm, oem_hbm,
          uidx_v, eidx_v, ug_v, eg_v, um_v, em_v, s1, s2, s3, s4):
        wid = lax.axis_index("s") * _NC + lax.axis_index("c")
        base = wid * _BPW
        pltpu.sync_copy(uid_hbm.at[pl.ds(wid * _NCHUNK, _NCHUNK)], uidx_v)
        pltpu.sync_copy(eid_hbm.at[pl.ds(wid * _NCHUNK, _NCHUNK)], eidx_v)
        for j in range(_NCHUNK):
            cs = pl.ds(base + j * _CHUNK, _CHUNK)
            c1 = pltpu.async_copy(ug_hbm.at[uidx_v.at[j]], ug_v, s1)
            c2 = pltpu.async_copy(eg_hbm.at[eidx_v.at[j]], eg_v, s2)
            c3 = pltpu.async_copy(um_hbm.at[uidx_v.at[j]], um_v, s3)
            c4 = pltpu.async_copy(em_hbm.at[eidx_v.at[j]], em_v, s4)
            c1.wait()
            pltpu.sync_copy(ug_v, oug_hbm.at[cs])
            c2.wait()
            pltpu.sync_copy(eg_v, oeg_hbm.at[cs])
            c3.wait()
            pltpu.sync_copy(um_v, oum_hbm.at[cs])
            c4.wait()
            pltpu.sync_copy(em_v, oem_hbm.at[cs])

    return k(ug_p, eg_p, um_p, em_p, upid2d, epid2d)


def _tc_dense(ug, eg, um, em, phu, phe, w1t, b1, gs1, bt1, w2t, b2, gs2, bt2,
              w3t, b3, gs3, bt3, wp, bp):
    blk = 2048
    grid = B // blk

    def body(ug_ref, eg_ref, um_ref, em_ref, phu_ref, phe_ref,
             w1_ref, b1_ref, gs1_ref, bt1_ref, w2_ref, b2_ref, gs2_ref,
             bt2_ref, w3_ref, b3_ref, gs3_ref, bt3_ref, wp_ref, bp_ref,
             out_ref):
        grp = (jax.lax.broadcasted_iota(jnp.int32, (blk, 128), 1)
               // NF).astype(jnp.float32)
        mu = (grp == phu_ref[...]).astype(jnp.float32)
        me = (grp == phe_ref[...]).astype(jnp.float32)

        def sel(rows, m):
            rm = rows * m
            acc = rm[:, :NF]
            for q in range(1, PACK):
                acc = acc + rm[:, q * NF:(q + 1) * NF]
            return acc

        ug_r = sel(ug_ref[...], mu)
        eg_r = sel(eg_ref[...], me)
        um_r = sel(um_ref[...], mu)
        em_r = sel(em_ref[...], me)
        x = jnp.concatenate([um_r, em_r], axis=1)
        h = jnp.dot(x, w1_ref[...], preferred_element_type=jnp.float32)
        h = jnp.maximum(h + b1_ref[...], 0.0) * gs1_ref[...] + bt1_ref[...]
        h = jnp.dot(h, w2_ref[...], preferred_element_type=jnp.float32)
        h = jnp.maximum(h + b2_ref[...], 0.0) * gs2_ref[...] + bt2_ref[...]
        h = jnp.dot(h, w3_ref[...], preferred_element_type=jnp.float32)
        h = jnp.maximum(h + b3_ref[...], 0.0) * gs3_ref[...] + bt3_ref[...]
        gmf = ug_r * eg_r
        wp_row = wp_ref[...]
        logit = (jnp.sum(gmf * wp_row[:, :NF], axis=1, keepdims=True)
                 + jnp.sum(h * wp_row[:, NF:], axis=1, keepdims=True)
                 + bp_ref[...])
        out_ref[...] = jax.nn.sigmoid(logit)

    def row_spec(shape):
        return pl.BlockSpec((blk,) + shape[1:],
                            lambda i: (i,) + (0,) * (len(shape) - 1))

    def rep_spec(shape):
        return pl.BlockSpec(shape, lambda i: (0,) * len(shape))

    ins = [ug, eg, um, em, phu, phe, w1t, b1, gs1, bt1, w2t, b2, gs2, bt2,
           w3t, b3, gs3, bt3, wp, bp]
    in_specs = [row_spec(a.shape) if a.shape[0] == B else rep_spec(a.shape)
                for a in ins]
    return pl.pallas_call(
        body,
        grid=(grid,),
        in_specs=in_specs,
        out_specs=pl.BlockSpec((blk, 1), lambda i: (i, 0)),
        out_shape=jax.ShapeDtypeStruct((B, 1), jnp.float32),
    )(*ins)


def kernel(user_ids, exercise_ids, ue_gmf, ee_gmf, ue_mlp, ee_mlp,
           W1, b1, g1, bt1, W2, b2, g2, bt2, W3, b3, g3, bt3, Wp, bp):
    uid = user_ids.astype(jnp.int32)
    eid = exercise_ids.astype(jnp.int32)
    seg4 = PACK * _SEG
    upid = _SEG * (uid // seg4) + uid % _SEG
    epid = _SEG * (eid // seg4) + eid % _SEG
    upid2d = upid.reshape(_NW * _NCHUNK, _CHUNK)
    epid2d = epid.reshape(_NW * _NCHUNK, _CHUNK)
    phu = ((uid // _SEG) % PACK).astype(jnp.float32).reshape(B, 1)
    phe = ((eid // _SEG) % PACK).astype(jnp.float32).reshape(B, 1)

    ug_p = _tc_repack(ue_gmf.T)
    eg_p = _tc_repack(ee_gmf.T)
    um_p = _tc_repack(ue_mlp.T)
    em_p = _tc_repack(ee_mlp.T)

    ug, eg, um, em = _sc_gather4(ug_p, eg_p, um_p, em_p, upid2d, epid2d)

    s = 1.0 / jnp.sqrt(jnp.float32(1.0 + EPS))
    args = (ug, eg, um, em, phu, phe,
            W1.T, b1.reshape(1, -1), (g1 * s).reshape(1, -1),
            bt1.reshape(1, -1),
            W2.T, b2.reshape(1, -1), (g2 * s).reshape(1, -1),
            bt2.reshape(1, -1),
            W3.T, b3.reshape(1, -1), (g3 * s).reshape(1, -1),
            bt3.reshape(1, -1),
            Wp, bp.reshape(1, 1))
    out = _tc_dense(*args)
    return out.reshape(B)

# --- scband reference (transcript-rebuilt; emitter-appended) ---
"""Pipeline reference for scband-neural-cf-26499948216558 (READ-ONLY COPY).

The authoritative reference and input builder live on the scoring server;
editing this copy changes nothing except your own understanding.
"""

import jax, jax.numpy as jnp
import numpy as np

N_USERS = 1000000
N_EX = 100000
NF = 32
HID = [64, 32, 16]
B = 16384
EPS = 1e-5


def setup_inputs(seed: int = 0) -> dict:
    key = jax.random.key(seed)
    ks = jax.random.split(key, 32)
    inp = {}
    inp['user_ids'] = jax.random.randint(ks[0], (B,), 0, N_USERS, dtype=jnp.int64 if jax.config.read('jax_enable_x64') else jnp.int32)
    inp['exercise_ids'] = jax.random.randint(ks[1], (B,), 0, N_EX, dtype=jnp.int64 if jax.config.read('jax_enable_x64') else jnp.int32)
    inp['ue_gmf'] = jax.random.normal(ks[2], (N_USERS, NF), dtype=jnp.float32) * 0.05
    inp['ee_gmf'] = jax.random.normal(ks[3], (N_EX, NF), dtype=jnp.float32) * 0.05
    inp['ue_mlp'] = jax.random.normal(ks[4], (N_USERS, NF), dtype=jnp.float32) * 0.05
    inp['ee_mlp'] = jax.random.normal(ks[5], (N_EX, NF), dtype=jnp.float32) * 0.05
    sizes = [NF * 2] + HID
    ki = 6
    for i in range(len(HID)):
        fan_in = sizes[i]
        bound = 1.0 / np.sqrt(fan_in)
        inp[f'W{i+1}'] = jax.random.uniform(ks[ki], (HID[i], fan_in), dtype=jnp.float32, minval=-bound, maxval=bound); ki += 1
        inp[f'b{i+1}'] = jax.random.uniform(ks[ki], (HID[i],), dtype=jnp.float32, minval=-bound, maxval=bound); ki += 1
        inp[f'g{i+1}'] = jnp.ones((HID[i],), dtype=jnp.float32)
        inp[f'bt{i+1}'] = jnp.zeros((HID[i],), dtype=jnp.float32)
    fan_in = NF + HID[-1]
    bound = 1.0 / np.sqrt(fan_in)
    inp['Wp'] = jax.random.uniform(ks[ki], (1, fan_in), dtype=jnp.float32, minval=-bound, maxval=bound); ki += 1
    inp['bp'] = jax.random.uniform(ks[ki], (1,), dtype=jnp.float32, minval=-bound, maxval=bound)
    return inp


def reference(user_ids, exercise_ids, ue_gmf, ee_gmf, ue_mlp, ee_mlp,
              W1, b1, g1, bt1, W2, b2, g2, bt2, W3, b3, g3, bt3, Wp, bp):
    # GMF branch: elementwise product of embeddings (gather-heavy)
    gmf_out = jnp.take(ue_gmf, user_ids, axis=0) * jnp.take(ee_gmf, exercise_ids, axis=0)
    # MLP branch
    x = jnp.concatenate([jnp.take(ue_mlp, user_ids, axis=0), jnp.take(ee_mlp, exercise_ids, axis=0)], axis=-1)
    for (W, b, g, bt) in [(W1, b1, g1, bt1), (W2, b2, g2, bt2), (W3, b3, g3, bt3)]:
        x = x @ W.T + b
        x = jnp.maximum(x, 0.0)
        # BatchNorm1d in eval mode: running_mean=0, running_var=1
        x = x / jnp.sqrt(1.0 + EPS) * g + bt
        # Dropout: identity in eval mode
    concat = jnp.concatenate([gmf_out, x], axis=-1)
    out = concat @ Wp.T + bp
    return jax.nn.sigmoid(out).squeeze(-1)

if __name__ == "__main__":
    import jax
    _d = setup_inputs()
    print(jax.jit(kernel)(*tuple(_d.values())))

</pallas_src>

<mosaic_0001>
#map = affine_map<(d0, d1) -> (0, 0)>
module attributes {stable_mosaic.version = 14 : i64} {
  func.func @k(%arg0: i32, %arg1: i32, %arg2: memref<253952x128xf32, #tpu.memory_space<hbm>>, %arg3: memref<28672x128xf32, #tpu.memory_space<hbm>>, %arg4: memref<253952x128xf32, #tpu.memory_space<hbm>>, %arg5: memref<28672x128xf32, #tpu.memory_space<hbm>>, %arg6: memref<128x128xi32, #tpu.memory_space<hbm>>, %arg7: memref<128x128xi32, #tpu.memory_space<hbm>>, %arg8: memref<16384x128xf32, #tpu.memory_space<hbm>>, %arg9: memref<16384x128xf32, #tpu.memory_space<hbm>>, %arg10: memref<16384x128xf32, #tpu.memory_space<hbm>>, %arg11: memref<16384x128xf32, #tpu.memory_space<hbm>>, %arg12: memref<4x128xi32, #tpu.memory_space<vmem>>, %arg13: memref<4x128xi32, #tpu.memory_space<vmem>>, %arg14: memref<128x128xf32, #tpu.memory_space<vmem>>, %arg15: memref<128x128xf32, #tpu.memory_space<vmem>>, %arg16: memref<128x128xf32, #tpu.memory_space<vmem>>, %arg17: memref<128x128xf32, #tpu.memory_space<vmem>>, %arg18: memref<!tpu.dma_semaphore, #tpu.memory_space<semaphore_mem>>, %arg19: memref<!tpu.dma_semaphore, #tpu.memory_space<semaphore_mem>>, %arg20: memref<!tpu.dma_semaphore, #tpu.memory_space<semaphore_mem>>, %arg21: memref<!tpu.dma_semaphore, #tpu.memory_space<semaphore_mem>>) attributes {dimension_semantics = [#tpu.dimension_semantics<core_parallel>, #tpu.dimension_semantics<subcore_parallel>], iteration_bounds = array<i64: 2, 16>, scalar_prefetch = 0 : i64, scratch_operands = 10 : i64, tpu.core_type = #tpu.core_type<sc_vector_subcore>, window_params = [{transform_indices = #map}, {transform_indices = #map}, {transform_indices = #map}, {transform_indices = #map}, {transform_indices = #map}, {transform_indices = #map}, {transform_indices = #map}, {transform_indices = #map}, {transform_indices = #map}, {transform_indices = #map}]} {
    %mul3A = arith.constant 2 : i32
    %mul3A_0 = arith.muli %arg1, %mul3A : i32
    %add3A = arith.addi %mul3A_0, %arg0 : i32
    %mul3A_1 = arith.constant 512 : i32
    %mul3A_2 = arith.muli %add3A, %mul3A_1 : i32
    %mul3A_3 = arith.constant 4 : i32
    %mul3A_4 = arith.muli %add3A, %mul3A_3 : i32
    "tpu.region"() ({
      %run_scoped3A = tpu.sem_alloc : memref<!tpu.dma_semaphore, #tpu.memory_space<semaphore_mem>>
      %dma_start3A_237 = arith.constant 0 : i32
      %dma_start3A_238 = tpu.memref_slice %arg6[%mul3A_4, %dma_start3A_237] : memref<128x128xi32, #tpu.memory_space<hbm>> -> memref<4x128xi32, #tpu.memory_space<hbm>>
      %dma_start3A_239 = arith.constant 0 : i32
      %dma_start3A_240 = tpu.memref_slice %arg6[%mul3A_4, %dma_start3A_239] : memref<128x128xi32, #tpu.memory_space<hbm>> -> memref<4x128xi32, #tpu.memory_space<hbm>>
      tpu.enqueue_dma source(%dma_start3A_240 : memref<4x128xi32, #tpu.memory_space<hbm>>) target(%arg12 : memref<4x128xi32, #tpu.memory_space<vmem>>) target_semaphore(%run_scoped3A : memref<!tpu.dma_semaphore, #tpu.memory_space<semaphore_mem>>)
      %dma_wait3A_241 = arith.constant 0 : i32
      %dma_wait3A_242 = tpu.memref_slice %arg6[%mul3A_4, %dma_wait3A_241] : memref<128x128xi32, #tpu.memory_space<hbm>> -> memref<4x128xi32, #tpu.memory_space<hbm>>
      %dma_wait3A_243 = arith.constant 0 : i32
      %dma_wait3A_244 = tpu.memref_slice %arg6[%mul3A_4, %dma_wait3A_243] : memref<128x128xi32, #tpu.memory_space<hbm>> -> memref<4x128xi32, #tpu.memory_space<hbm>>
      tpu.wait_dma2 semaphore(%run_scoped3A : memref<!tpu.dma_semaphore, #tpu.memory_space<semaphore_mem>>) src(%dma_wait3A_244 : memref<4x128xi32, #tpu.memory_space<hbm>>) dst(%arg12 : memref<4x128xi32, #tpu.memory_space<vmem>>)
      tpu.yield
    }) : () -> ()
    %mul3A_5 = arith.constant 4 : i32
    %mul3A_6 = arith.muli %add3A, %mul3A_5 : i32
    "tpu.region"() ({
      %run_scoped3A = tpu.sem_alloc : memref<!tpu.dma_semaphore, #tpu.memory_space<semaphore_mem>>
      %dma_start3A_237 = arith.constant 0 : i32
      %dma_start3A_238 = tpu.memref_slice %arg7[%mul3A_6, %dma_start3A_237] : memref<128x128xi32, #tpu.memory_space<hbm>> -> memref<4x128xi32, #tpu.memory_space<hbm>>
      %dma_start3A_239 = arith.constant 0 : i32
      %dma_start3A_240 = tpu.memref_slice %arg7[%mul3A_6, %dma_start3A_239] : memref<128x128xi32, #tpu.memory_space<hbm>> -> memref<4x128xi32, #tpu.memory_space<hbm>>
      tpu.enqueue_dma source(%dma_start3A_240 : memref<4x128xi32, #tpu.memory_space<hbm>>) target(%arg13 : memref<4x128xi32, #tpu.memory_space<vmem>>) target_semaphore(%run_scoped3A : memref<!tpu.dma_semaphore, #tpu.memory_space<semaphore_mem>>)
      %dma_wait3A_241 = arith.constant 0 : i32
      %dma_wait3A_242 = tpu.memref_slice %arg7[%mul3A_6, %dma_wait3A_241] : memref<128x128xi32, #tpu.memory_space<hbm>> -> memref<4x128xi32, #tpu.memory_space<hbm>>
      %dma_wait3A_243 = arith.constant 0 : i32
      %dma_wait3A_244 = tpu.memref_slice %arg7[%mul3A_6, %dma_wait3A_243] : memref<128x128xi32, #tpu.memory_space<hbm>> -> memref<4x128xi32, #tpu.memory_space<hbm>>
      tpu.wait_dma2 semaphore(%run_scoped3A : memref<!tpu.dma_semaphore, #tpu.memory_space<semaphore_mem>>) src(%dma_wait3A_244 : memref<4x128xi32, #tpu.memory_space<hbm>>) dst(%arg13 : memref<4x128xi32, #tpu.memory_space<vmem>>)
      tpu.yield
    }) : () -> ()
    %add3A_7 = arith.constant 0 : i32
    %add3A_8 = arith.addi %mul3A_2, %add3A_7 : i32
    %dma_start3A = arith.constant 0 : i32
    %dma_start3A_9 = arith.constant 0 : i32
    %dma_start3A_10 = tpu.memref_slice %arg12[%dma_start3A, %dma_start3A_9] : memref<4x128xi32, #tpu.memory_space<vmem>> -> memref<1x128xi32, #tpu.memory_space<vmem>>
    %dma_start3A_11 = tpu.memref_squeeze %dma_start3A_10 : memref<1x128xi32, #tpu.memory_space<vmem>> -> memref<128xi32, #tpu.memory_space<vmem>>
    %dma_start3A_12 = arith.constant 0 : i32
    %dma_start3A_13 = arith.constant 0 : i32
    %dma_start3A_14 = tpu.memref_slice %arg2[%dma_start3A_12, %dma_start3A_13] : memref<253952x128xf32, #tpu.memory_space<hbm>> -> memref<253952x128xf32, #tpu.memory_space<hbm>>
    tpu.enqueue_indirect_dma source(%dma_start3A_14 : memref<253952x128xf32, #tpu.memory_space<hbm>>) target(%arg14 : memref<128x128xf32, #tpu.memory_space<vmem>>) offsets(%dma_start3A_11 : memref<128xi32, #tpu.memory_space<vmem>>) semaphore(%arg18 : memref<!tpu.dma_semaphore, #tpu.memory_space<semaphore_mem>>)
    %dma_start3A_15 = arith.constant 0 : i32
    %dma_start3A_16 = arith.constant 0 : i32
    %dma_start3A_17 = tpu.memref_slice %arg13[%dma_start3A_15, %dma_start3A_16] : memref<4x128xi32, #tpu.memory_space<vmem>> -> memref<1x128xi32, #tpu.memory_space<vmem>>
    %dma_start3A_18 = tpu.memref_squeeze %dma_start3A_17 : memref<1x128xi32, #tpu.memory_space<vmem>> -> memref<128xi32, #tpu.memory_space<vmem>>
    %dma_start3A_19 = arith.constant 0 : i32
    %dma_start3A_20 = arith.constant 0 : i32
    %dma_start3A_21 = tpu.memref_slice %arg3[%dma_start3A_19, %dma_start3A_20] : memref<28672x128xf32, #tpu.memory_space<hbm>> -> memref<28672x128xf32, #tpu.memory_space<hbm>>
    tpu.enqueue_indirect_dma source(%dma_start3A_21 : memref<28672x128xf32, #tpu.memory_space<hbm>>) target(%arg15 : memref<128x128xf32, #tpu.memory_space<vmem>>) offsets(%dma_start3A_18 : memref<128xi32, #tpu.memory_space<vmem>>) semaphore(%arg19 : memref<!tpu.dma_semaphore, #tpu.memory_space<semaphore_mem>>)
    %dma_start3A_22 = arith.constant 0 : i32
    %dma_start3A_23 = arith.constant 0 : i32
    %dma_start3A_24 = tpu.memref_slice %arg12[%dma_start3A_22, %dma_start3A_23] : memref<4x128xi32, #tpu.memory_space<vmem>> -> memref<1x128xi32, #tpu.memory_space<vmem>>
    %dma_start3A_25 = tpu.memref_squeeze %dma_start3A_24 : memref<1x128xi32, #tpu.memory_space<vmem>> -> memref<128xi32, #tpu.memory_space<vmem>>
    %dma_start3A_26 = arith.constant 0 : i32
    %dma_start3A_27 = arith.constant 0 : i32
    %dma_start3A_28 = tpu.memref_slice %arg4[%dma_start3A_26, %dma_start3A_27] : memref<253952x128xf32, #tpu.memory_space<hbm>> -> memref<253952x128xf32, #tpu.memory_space<hbm>>
    tpu.enqueue_indirect_dma source(%dma_start3A_28 : memref<253952x128xf32, #tpu.memory_space<hbm>>) target(%arg16 : memref<128x128xf32, #tpu.memory_space<vmem>>) offsets(%dma_start3A_25 : memref<128xi32, #tpu.memory_space<vmem>>) semaphore(%arg20 : memref<!tpu.dma_semaphore, #tpu.memory_space<semaphore_mem>>)
    %dma_start3A_29 = arith.constant 0 : i32
    %dma_start3A_30 = arith.constant 0 : i32
    %dma_start3A_31 = tpu.memref_slice %arg13[%dma_start3A_29, %dma_start3A_30] : memref<4x128xi32, #tpu.memory_space<vmem>> -> memref<1x128xi32, #tpu.memory_space<vmem>>
    %dma_start3A_32 = tpu.memref_squeeze %dma_start3A_31 : memref<1x128xi32, #tpu.memory_space<vmem>> -> memref<128xi32, #tpu.memory_space<vmem>>
    %dma_start3A_33 = arith.constant 0 : i32
    %dma_start3A_34 = arith.constant 0 : i32
    %dma_start3A_35 = tpu.memref_slice %arg5[%dma_start3A_33, %dma_start3A_34] : memref<28672x128xf32, #tpu.memory_space<hbm>> -> memref<28672x128xf32, #tpu.memory_space<hbm>>
    tpu.enqueue_indirect_dma source(%dma_start3A_35 : memref<28672x128xf32, #tpu.memory_space<hbm>>) target(%arg17 : memref<128x128xf32, #tpu.memory_space<vmem>>) offsets(%dma_start3A_32 : memref<128xi32, #tpu.memory_space<vmem>>) semaphore(%arg21 : memref<!tpu.dma_semaphore, #tpu.memory_space<semaphore_mem>>)
    %dma_wait3A = arith.constant 0 : i32
    %dma_wait3A_36 = arith.constant 0 : i32
    %dma_wait3A_37 = tpu.memref_slice %arg12[%dma_wait3A, %dma_wait3A_36] : memref<4x128xi32, #tpu.memory_space<vmem>> -> memref<1x128xi32, #tpu.memory_space<vmem>>
    %dma_wait3A_38 = tpu.memref_squeeze %dma_wait3A_37 : memref<1x128xi32, #tpu.memory_space<vmem>> -> memref<128xi32, #tpu.memory_space<vmem>>
    %dma_wait3A_39 = arith.constant 0 : i32
    %dma_wait3A_40 = arith.constant 0 : i32
    %dma_wait3A_41 = tpu.memref_slice %arg2[%dma_wait3A_39, %dma_wait3A_40] : memref<253952x128xf32, #tpu.memory_space<hbm>> -> memref<253952x128xf32, #tpu.memory_space<hbm>>
    tpu.wait_indirect_dma semaphore(%arg18 : memref<!tpu.dma_semaphore, #tpu.memory_space<semaphore_mem>>) src(%dma_wait3A_41 : memref<253952x128xf32, #tpu.memory_space<hbm>>) dst(%arg14 : memref<128x128xf32, #tpu.memory_space<vmem>>)
    "tpu.region"() ({
      %run_scoped3A = tpu.sem_alloc : memref<!tpu.dma_semaphore, #tpu.memory_space<semaphore_mem>>
      %dma_start3A_237 = arith.constant 0 : i32
      %dma_start3A_238 = tpu.memref_slice %arg8[%add3A_8, %dma_start3A_237] : memref<16384x128xf32, #tpu.memory_space<hbm>> -> memref<128x128xf32, #tpu.memory_space<hbm>>
      %dma_start3A_239 = arith.constant 0 : i32
      %dma_start3A_240 = tpu.memref_slice %arg8[%add3A_8, %dma_start3A_239] : memref<16384x128xf32, #tpu.memory_space<hbm>> -> memref<128x128xf32, #tpu.memory_space<hbm>>
      tpu.enqueue_dma source(%arg14 : memref<128x128xf32, #tpu.memory_space<vmem>>) target(%dma_start3A_240 : memref<128x128xf32, #tpu.memory_space<hbm>>) target_semaphore(%run_scoped3A : memref<!tpu.dma_semaphore, #tpu.memory_space<semaphore_mem>>)
      %dma_wait3A_241 = arith.constant 0 : i32
      %dma_wait3A_242 = tpu.memref_slice %arg8[%add3A_8, %dma_wait3A_241] : memref<16384x128xf32, #tpu.memory_space<hbm>> -> memref<128x128xf32, #tpu.memory_space<hbm>>
      %dma_wait3A_243 = arith.constant 0 : i32
      %dma_wait3A_244 = tpu.memref_slice %arg8[%add3A_8, %dma_wait3A_243] : memref<16384x128xf32, #tpu.memory_space<hbm>> -> memref<128x128xf32, #tpu.memory_space<hbm>>
      tpu.wait_dma2 semaphore(%run_scoped3A : memref<!tpu.dma_semaphore, #tpu.memory_space<semaphore_mem>>) src(%arg14 : memref<128x128xf32, #tpu.memory_space<vmem>>) dst(%dma_wait3A_244 : memref<128x128xf32, #tpu.memory_space<hbm>>)
      tpu.yield
    }) : () -> ()
    %dma_wait3A_42 = arith.constant 0 : i32
    %dma_wait3A_43 = arith.constant 0 : i32
    %dma_wait3A_44 = tpu.memref_slice %arg13[%dma_wait3A_42, %dma_wait3A_43] : memref<4x128xi32, #tpu.memory_space<vmem>> -> memref<1x128xi32, #tpu.memory_space<vmem>>
    %dma_wait3A_45 = tpu.memref_squeeze %dma_wait3A_44 : memref<1x128xi32, #tpu.memory_space<vmem>> -> memref<128xi32, #tpu.memory_space<vmem>>
    %dma_wait3A_46 = arith.constant 0 : i32
    %dma_wait3A_47 = arith.constant 0 : i32
    %dma_wait3A_48 = tpu.memref_slice %arg3[%dma_wait3A_46, %dma_wait3A_47] : memref<28672x128xf32, #tpu.memory_space<hbm>> -> memref<28672x128xf32, #tpu.memory_space<hbm>>
    tpu.wait_indirect_dma semaphore(%arg19 : memref<!tpu.dma_semaphore, #tpu.memory_space<semaphore_mem>>) src(%dma_wait3A_48 : memref<28672x128xf32, #tpu.memory_space<hbm>>) dst(%arg15 : memref<128x128xf32, #tpu.memory_space<vmem>>)
    "tpu.region"() ({
      %run_scoped3A = tpu.sem_alloc : memref<!tpu.dma_semaphore, #tpu.memory_space<semaphore_mem>>
      %dma_start3A_237 = arith.constant 0 : i32
      %dma_start3A_238 = tpu.memref_slice %arg9[%add3A_8, %dma_start3A_237] : memref<16384x128xf32, #tpu.memory_space<hbm>> -> memref<128x128xf32, #tpu.memory_space<hbm>>
      %dma_start3A_239 = arith.constant 0 : i32
      %dma_start3A_240 = tpu.memref_slice %arg9[%add3A_8, %dma_start3A_239] : memref<16384x128xf32, #tpu.memory_space<hbm>> -> memref<128x128xf32, #tpu.memory_space<hbm>>
      tpu.enqueue_dma source(%arg15 : memref<128x128xf32, #tpu.memory_space<vmem>>) target(%dma_start3A_240 : memref<128x128xf32, #tpu.memory_space<hbm>>) target_semaphore(%run_scoped3A : memref<!tpu.dma_semaphore, #tpu.memory_space<semaphore_mem>>)
      %dma_wait3A_241 = arith.constant 0 : i32
      %dma_wait3A_242 = tpu.memref_slice %arg9[%add3A_8, %dma_wait3A_241] : memref<16384x128xf32, #tpu.memory_space<hbm>> -> memref<128x128xf32, #tpu.memory_space<hbm>>
      %dma_wait3A_243 = arith.constant 0 : i32
      %dma_wait3A_244 = tpu.memref_slice %arg9[%add3A_8, %dma_wait3A_243] : memref<16384x128xf32, #tpu.memory_space<hbm>> -> memref<128x128xf32, #tpu.memory_space<hbm>>
      tpu.wait_dma2 semaphore(%run_scoped3A : memref<!tpu.dma_semaphore, #tpu.memory_space<semaphore_mem>>) src(%arg15 : memref<128x128xf32, #tpu.memory_space<vmem>>) dst(%dma_wait3A_244 : memref<128x128xf32, #tpu.memory_space<hbm>>)
      tpu.yield
    }) : () -> ()
    %dma_wait3A_49 = arith.constant 0 : i32
    %dma_wait3A_50 = arith.constant 0 : i32
    %dma_wait3A_51 = tpu.memref_slice %arg12[%dma_wait3A_49, %dma_wait3A_50] : memref<4x128xi32, #tpu.memory_space<vmem>> -> memref<1x128xi32, #tpu.memory_space<vmem>>
    %dma_wait3A_52 = tpu.memref_squeeze %dma_wait3A_51 : memref<1x128xi32, #tpu.memory_space<vmem>> -> memref<128xi32, #tpu.memory_space<vmem>>
    %dma_wait3A_53 = arith.constant 0 : i32
    %dma_wait3A_54 = arith.constant 0 : i32
    %dma_wait3A_55 = tpu.memref_slice %arg4[%dma_wait3A_53, %dma_wait3A_54] : memref<253952x128xf32, #tpu.memory_space<hbm>> -> memref<253952x128xf32, #tpu.memory_space<hbm>>
    tpu.wait_indirect_dma semaphore(%arg20 : memref<!tpu.dma_semaphore, #tpu.memory_space<semaphore_mem>>) src(%dma_wait3A_55 : memref<253952x128xf32, #tpu.memory_space<hbm>>) dst(%arg16 : memref<128x128xf32, #tpu.memory_space<vmem>>)
    "tpu.region"() ({
      %run_scoped3A = tpu.sem_alloc : memref<!tpu.dma_semaphore, #tpu.memory_space<semaphore_mem>>
      %dma_start3A_237 = arith.constant 0 : i32
      %dma_start3A_238 = tpu.memref_slice %arg10[%add3A_8, %dma_start3A_237] : memref<16384x128xf32, #tpu.memory_space<hbm>> -> memref<128x128xf32, #tpu.memory_space<hbm>>
      %dma_start3A_239 = arith.constant 0 : i32
      %dma_start3A_240 = tpu.memref_slice %arg10[%add3A_8, %dma_start3A_239] : memref<16384x128xf32, #tpu.memory_space<hbm>> -> memref<128x128xf32, #tpu.memory_space<hbm>>
      tpu.enqueue_dma source(%arg16 : memref<128x128xf32, #tpu.memory_space<vmem>>) target(%dma_start3A_240 : memref<128x128xf32, #tpu.memory_space<hbm>>) target_semaphore(%run_scoped3A : memref<!tpu.dma_semaphore, #tpu.memory_space<semaphore_mem>>)
      %dma_wait3A_241 = arith.constant 0 : i32
      %dma_wait3A_242 = tpu.memref_slice %arg10[%add3A_8, %dma_wait3A_241] : memref<16384x128xf32, #tpu.memory_space<hbm>> -> memref<128x128xf32, #tpu.memory_space<hbm>>
      %dma_wait3A_243 = arith.constant 0 : i32
      %dma_wait3A_244 = tpu.memref_slice %arg10[%add3A_8, %dma_wait3A_243] : memref<16384x128xf32, #tpu.memory_space<hbm>> -> memref<128x128xf32, #tpu.memory_space<hbm>>
      tpu.wait_dma2 semaphore(%run_scoped3A : memref<!tpu.dma_semaphore, #tpu.memory_space<semaphore_mem>>) src(%arg16 : memref<128x128xf32, #tpu.memory_space<vmem>>) dst(%dma_wait3A_244 : memref<128x128xf32, #tpu.memory_space<hbm>>)
      tpu.yield
    }) : () -> ()
    %dma_wait3A_56 = arith.constant 0 : i32
    %dma_wait3A_57 = arith.constant 0 : i32
    %dma_wait3A_58 = tpu.memref_slice %arg13[%dma_wait3A_56, %dma_wait3A_57] : memref<4x128xi32, #tpu.memory_space<vmem>> -> memref<1x128xi32, #tpu.memory_space<vmem>>
    %dma_wait3A_59 = tpu.memref_squeeze %dma_wait3A_58 : memref<1x128xi32, #tpu.memory_space<vmem>> -> memref<128xi32, #tpu.memory_space<vmem>>
    %dma_wait3A_60 = arith.constant 0 : i32
    %dma_wait3A_61 = arith.constant 0 : i32
    %dma_wait3A_62 = tpu.memref_slice %arg5[%dma_wait3A_60, %dma_wait3A_61] : memref<28672x128xf32, #tpu.memory_space<hbm>> -> memref<28672x128xf32, #tpu.memory_space<hbm>>
    tpu.wait_indirect_dma semaphore(%arg21 : memref<!tpu.dma_semaphore, #tpu.memory_space<semaphore_mem>>) src(%dma_wait3A_62 : memref<28672x128xf32, #tpu.memory_space<hbm>>) dst(%arg17 : memref<128x128xf32, #tpu.memory_space<vmem>>)
    "tpu.region"() ({
      %run_scoped3A = tpu.sem_alloc : memref<!tpu.dma_semaphore, #tpu.memory_space<semaphore_mem>>
      %dma_start3A_237 = arith.constant 0 : i32
      %dma_start3A_238 = tpu.memref_slice %arg11[%add3A_8, %dma_start3A_237] : memref<16384x128xf32, #tpu.memory_space<hbm>> -> memref<128x128xf32, #tpu.memory_space<hbm>>
      %dma_start3A_239 = arith.constant 0 : i32
      %dma_start3A_240 = tpu.memref_slice %arg11[%add3A_8, %dma_start3A_239] : memref<16384x128xf32, #tpu.memory_space<hbm>> -> memref<128x128xf32, #tpu.memory_space<hbm>>
      tpu.enqueue_dma source(%arg17 : memref<128x128xf32, #tpu.memory_space<vmem>>) target(%dma_start3A_240 : memref<128x128xf32, #tpu.memory_space<hbm>>) target_semaphore(%run_scoped3A : memref<!tpu.dma_semaphore, #tpu.memory_space<semaphore_mem>>)
      %dma_wait3A_241 = arith.constant 0 : i32
      %dma_wait3A_242 = tpu.memref_slice %arg11[%add3A_8, %dma_wait3A_241] : memref<16384x128xf32, #tpu.memory_space<hbm>> -> memref<128x128xf32, #tpu.memory_space<hbm>>
      %dma_wait3A_243 = arith.constant 0 : i32
      %dma_wait3A_244 = tpu.memref_slice %arg11[%add3A_8, %dma_wait3A_243] : memref<16384x128xf32, #tpu.memory_space<hbm>> -> memref<128x128xf32, #tpu.memory_space<hbm>>
      tpu.wait_dma2 semaphore(%run_scoped3A : memref<!tpu.dma_semaphore, #tpu.memory_space<semaphore_mem>>) src(%arg17 : memref<128x128xf32, #tpu.memory_space<vmem>>) dst(%dma_wait3A_244 : memref<128x128xf32, #tpu.memory_space<hbm>>)
      tpu.yield
    }) : () -> ()
    %add3A_63 = arith.constant 128 : i32
    %add3A_64 = arith.addi %mul3A_2, %add3A_63 : i32
    %dma_start3A_65 = arith.constant 1 : i32
    %dma_start3A_66 = arith.constant 0 : i32
    %dma_start3A_67 = tpu.memref_slice %arg12[%dma_start3A_65, %dma_start3A_66] : memref<4x128xi32, #tpu.memory_space<vmem>> -> memref<1x128xi32, #tpu.memory_space<vmem>>
    %dma_start3A_68 = tpu.memref_squeeze %dma_start3A_67 : memref<1x128xi32, #tpu.memory_space<vmem>> -> memref<128xi32, #tpu.memory_space<vmem>>
    %dma_start3A_69 = arith.constant 0 : i32
    %dma_start3A_70 = arith.constant 0 : i32
    %dma_start3A_71 = tpu.memref_slice %arg2[%dma_start3A_69, %dma_start3A_70] : memref<253952x128xf32, #tpu.memory_space<hbm>> -> memref<253952x128xf32, #tpu.memory_space<hbm>>
    tpu.enqueue_indirect_dma source(%dma_start3A_71 : memref<253952x128xf32, #tpu.memory_space<hbm>>) target(%arg14 : memref<128x128xf32, #tpu.memory_space<vmem>>) offsets(%dma_start3A_68 : memref<128xi32, #tpu.memory_space<vmem>>) semaphore(%arg18 : memref<!tpu.dma_semaphore, #tpu.memory_space<semaphore_mem>>)
    %dma_start3A_72 = arith.constant 1 : i32
    %dma_start3A_73 = arith.constant 0 : i32
    %dma_start3A_74 = tpu.memref_slice %arg13[%dma_start3A_72, %dma_start3A_73] : memref<4x128xi32, #tpu.memory_space<vmem>> -> memref<1x128xi32, #tpu.memory_space<vmem>>
    %dma_start3A_75 = tpu.memref_squeeze %dma_start3A_74 : memref<1x128xi32, #tpu.memory_space<vmem>> -> memref<128xi32, #tpu.memory_space<vmem>>
    %dma_start3A_76 = arith.constant 0 : i32
    %dma_start3A_77 = arith.constant 0 : i32
    %dma_start3A_78 = tpu.memref_slice %arg3[%dma_start3A_76, %dma_start3A_77] : memref<28672x128xf32, #tpu.memory_space<hbm>> -> memref<28672x128xf32, #tpu.memory_space<hbm>>
    tpu.enqueue_indirect_dma source(%dma_start3A_78 : memref<28672x128xf32, #tpu.memory_space<hbm>>) target(%arg15 : memref<128x128xf32, #tpu.memory_space<vmem>>) offsets(%dma_start3A_75 : memref<128xi32, #tpu.memory_space<vmem>>) semaphore(%arg19 : memref<!tpu.dma_semaphore, #tpu.memory_space<semaphore_mem>>)
    %dma_start3A_79 = arith.constant 1 : i32
    %dma_start3A_80 = arith.constant 0 : i32
    %dma_start3A_81 = tpu.memref_slice %arg12[%dma_start3A_79, %dma_start3A_80] : memref<4x128xi32, #tpu.memory_space<vmem>> -> memref<1x128xi32, #tpu.memory_space<vmem>>
    %dma_start3A_82 = tpu.memref_squeeze %dma_start3A_81 : memref<1x128xi32, #tpu.memory_space<vmem>> -> memref<128xi32, #tpu.memory_space<vmem>>
    %dma_start3A_83 = arith.constant 0 : i32
    %dma_start3A_84 = arith.constant 0 : i32
    %dma_start3A_85 = tpu.memref_slice %arg4[%dma_start3A_83, %dma_start3A_84] : memref<253952x128xf32, #tpu.memory_space<hbm>> -> memref<253952x128xf32, #tpu.memory_space<hbm>>
    tpu.enqueue_indirect_dma source(%dma_start3A_85 : memref<253952x128xf32, #tpu.memory_space<hbm>>) target(%arg16 : memref<128x128xf32, #tpu.memory_space<vmem>>) offsets(%dma_start3A_82 : memref<128xi32, #tpu.memory_space<vmem>>) semaphore(%arg20 : memref<!tpu.dma_semaphore, #tpu.memory_space<semaphore_mem>>)
    %dma_start3A_86 = arith.constant 1 : i32
    %dma_start3A_87 = arith.constant 0 : i32
    %dma_start3A_88 = tpu.memref_slice %arg13[%dma_start3A_86, %dma_start3A_87] : memref<4x128xi32, #tpu.memory_space<vmem>> -> memref<1x128xi32, #tpu.memory_space<vmem>>
    %dma_start3A_89 = tpu.memref_squeeze %dma_start3A_88 : memref<1x128xi32, #tpu.memory_space<vmem>> -> memref<128xi32, #tpu.memory_space<vmem>>
    %dma_start3A_90 = arith.constant 0 : i32
    %dma_start3A_91 = arith.constant 0 : i32
    %dma_start3A_92 = tpu.memref_slice %arg5[%dma_start3A_90, %dma_start3A_91] : memref<28672x128xf32, #tpu.memory_space<hbm>> -> memref<28672x128xf32, #tpu.memory_space<hbm>>
    tpu.enqueue_indirect_dma source(%dma_start3A_92 : memref<28672x128xf32, #tpu.memory_space<hbm>>) target(%arg17 : memref<128x128xf32, #tpu.memory_space<vmem>>) offsets(%dma_start3A_89 : memref<128xi32, #tpu.memory_space<vmem>>) semaphore(%arg21 : memref<!tpu.dma_semaphore, #tpu.memory_space<semaphore_mem>>)
    %dma_wait3A_93 = arith.constant 1 : i32
    %dma_wait3A_94 = arith.constant 0 : i32
    %dma_wait3A_95 = tpu.memref_slice %arg12[%dma_wait3A_93, %dma_wait3A_94] : memref<4x128xi32, #tpu.memory_space<vmem>> -> memref<1x128xi32, #tpu.memory_space<vmem>>
    %dma_wait3A_96 = tpu.memref_squeeze %dma_wait3A_95 : memref<1x128xi32, #tpu.memory_space<vmem>> -> memref<128xi32, #tpu.memory_space<vmem>>
    %dma_wait3A_97 = arith.constant 0 : i32
    %dma_wait3A_98 = arith.constant 0 : i32
    %dma_wait3A_99 = tpu.memref_slice %arg2[%dma_wait3A_97, %dma_wait3A_98] : memref<253952x128xf32, #tpu.memory_space<hbm>> -> memref<253952x128xf32, #tpu.memory_space<hbm>>
    tpu.wait_indirect_dma semaphore(%arg18 : memref<!tpu.dma_semaphore, #tpu.memory_space<semaphore_mem>>) src(%dma_wait3A_99 : memref<253952x128xf32, #tpu.memory_space<hbm>>) dst(%arg14 : memref<128x128xf32, #tpu.memory_space<vmem>>)
    "tpu.region"() ({
      %run_scoped3A = tpu.sem_alloc : memref<!tpu.dma_semaphore, #tpu.memory_space<semaphore_mem>>
      %dma_start3A_237 = arith.constant 0 : i32
      %dma_start3A_238 = tpu.memref_slice %arg8[%add3A_64, %dma_start3A_237] : memref<16384x128xf32, #tpu.memory_space<hbm>> -> memref<128x128xf32, #tpu.memory_space<hbm>>
      %dma_start3A_239 = arith.constant 0 : i32
      %dma_start3A_240 = tpu.memref_slice %arg8[%add3A_64, %dma_start3A_239] : memref<16384x128xf32, #tpu.memory_space<hbm>> -> memref<128x128xf32, #tpu.memory_space<hbm>>
      tpu.enqueue_dma source(%arg14 : memref<128x128xf32, #tpu.memory_space<vmem>>) target(%dma_start3A_240 : memref<128x128xf32, #tpu.memory_space<hbm>>) target_semaphore(%run_scoped3A : memref<!tpu.dma_semaphore, #tpu.memory_space<semaphore_mem>>)
      %dma_wait3A_241 = arith.constant 0 : i32
      %dma_wait3A_242 = tpu.memref_slice %arg8[%add3A_64, %dma_wait3A_241] : memref<16384x128xf32, #tpu.memory_space<hbm>> -> memref<128x128xf32, #tpu.memory_space<hbm>>
      %dma_wait3A_243 = arith.constant 0 : i32
      %dma_wait3A_244 = tpu.memref_slice %arg8[%add3A_64, %dma_wait3A_243] : memref<16384x128xf32, #tpu.memory_space<hbm>> -> memref<128x128xf32, #tpu.memory_space<hbm>>
      tpu.wait_dma2 semaphore(%run_scoped3A : memref<!tpu.dma_semaphore, #tpu.memory_space<semaphore_mem>>) src(%arg14 : memref<128x128xf32, #tpu.memory_space<vmem>>) dst(%dma_wait3A_244 : memref<128x128xf32, #tpu.memory_space<hbm>>)
      tpu.yield
    }) : () -> ()
    %dma_wait3A_100 = arith.constant 1 : i32
    %dma_wait3A_101 = arith.constant 0 : i32
    %dma_wait3A_102 = tpu.memref_slice %arg13[%dma_wait3A_100, %dma_wait3A_101] : memref<4x128xi32, #tpu.memory_space<vmem>> -> memref<1x128xi32, #tpu.memory_space<vmem>>
    %dma_wait3A_103 = tpu.memref_squeeze %dma_wait3A_102 : memref<1x128xi32, #tpu.memory_space<vmem>> -> memref<128xi32, #tpu.memory_space<vmem>>
    %dma_wait3A_104 = arith.constant 0 : i32
    %dma_wait3A_105 = arith.constant 0 : i32
    %dma_wait3A_106 = tpu.memref_slice %arg3[%dma_wait3A_104, %dma_wait3A_105] : memref<28672x128xf32, #tpu.memory_space<hbm>> -> memref<28672x128xf32, #tpu.memory_space<hbm>>
    tpu.wait_indirect_dma semaphore(%arg19 : memref<!tpu.dma_semaphore, #tpu.memory_space<semaphore_mem>>) src(%dma_wait3A_106 : memref<28672x128xf32, #tpu.memory_space<hbm>>) dst(%arg15 : memref<128x128xf32, #tpu.memory_space<vmem>>)
    "tpu.region"() ({
      %run_scoped3A = tpu.sem_alloc : memref<!tpu.dma_semaphore, #tpu.memory_space<semaphore_mem>>
      %dma_start3A_237 = arith.constant 0 : i32
      %dma_start3A_238 = tpu.memref_slice %arg9[%add3A_64, %dma_start3A_237] : memref<16384x128xf32, #tpu.memory_space<hbm>> -> memref<128x128xf32, #tpu.memory_space<hbm>>
      %dma_start3A_239 = arith.constant 0 : i32
      %dma_start3A_240 = tpu.memref_slice %arg9[%add3A_64, %dma_start3A_239] : memref<16384x128xf32, #tpu.memory_space<hbm>> -> memref<128x128xf32, #tpu.memory_space<hbm>>
      tpu.enqueue_dma source(%arg15 : memref<128x128xf32, #tpu.memory_space<vmem>>) target(%dma_start3A_240 : memref<128x128xf32, #tpu.memory_space<hbm>>) target_semaphore(%run_scoped3A : memref<!tpu.dma_semaphore, #tpu.memory_space<semaphore_mem>>)
      %dma_wait3A_241 = arith.constant 0 : i32
      %dma_wait3A_242 = tpu.memref_slice %arg9[%add3A_64, %dma_wait3A_241] : memref<16384x128xf32, #tpu.memory_space<hbm>> -> memref<128x128xf32, #tpu.memory_space<hbm>>
      %dma_wait3A_243 = arith.constant 0 : i32
      %dma_wait3A_244 = tpu.memref_slice %arg9[%add3A_64, %dma_wait3A_243] : memref<16384x128xf32, #tpu.memory_space<hbm>> -> memref<128x128xf32, #tpu.memory_space<hbm>>
      tpu.wait_dma2 semaphore(%run_scoped3A : memref<!tpu.dma_semaphore, #tpu.memory_space<semaphore_mem>>) src(%arg15 : memref<128x128xf32, #tpu.memory_space<vmem>>) dst(%dma_wait3A_244 : memref<128x128xf32, #tpu.memory_space<hbm>>)
      tpu.yield
    }) : () -> ()
    %dma_wait3A_107 = arith.constant 1 : i32
    %dma_wait3A_108 = arith.constant 0 : i32
    %dma_wait3A_109 = tpu.memref_slice %arg12[%dma_wait3A_107, %dma_wait3A_108] : memref<4x128xi32, #tpu.memory_space<vmem>> -> memref<1x128xi32, #tpu.memory_space<vmem>>
    %dma_wait3A_110 = tpu.memref_squeeze %dma_wait3A_109 : memref<1x128xi32, #tpu.memory_space<vmem>> -> memref<128xi32, #tpu.memory_space<vmem>>
    %dma_wait3A_111 = arith.constant 0 : i32
    %dma_wait3A_112 = arith.constant 0 : i32
    %dma_wait3A_113 = tpu.memref_slice %arg4[%dma_wait3A_111, %dma_wait3A_112] : memref<253952x128xf32, #tpu.memory_space<hbm>> -> memref<253952x128xf32, #tpu.memory_space<hbm>>
    tpu.wait_indirect_dma semaphore(%arg20 : memref<!tpu.dma_semaphore, #tpu.memory_space<semaphore_mem>>) src(%dma_wait3A_113 : memref<253952x128xf32, #tpu.memory_space<hbm>>) dst(%arg16 : memref<128x128xf32, #tpu.memory_space<vmem>>)
    "tpu.region"() ({
      %run_scoped3A = tpu.sem_alloc : memref<!tpu.dma_semaphore, #tpu.memory_space<semaphore_mem>>
      %dma_start3A_237 = arith.constant 0 : i32
      %dma_start3A_238 = tpu.memref_slice %arg10[%add3A_64, %dma_start3A_237] : memref<16384x128xf32, #tpu.memory_space<hbm>> -> memref<128x128xf32, #tpu.memory_space<hbm>>
      %dma_start3A_239 = arith.constant 0 : i32
      %dma_start3A_240 = tpu.memref_slice %arg10[%add3A_64, %dma_start3A_239] : memref<16384x128xf32, #tpu.memory_space<hbm>> -> memref<128x128xf32, #tpu.memory_space<hbm>>
      tpu.enqueue_dma source(%arg16 : memref<128x128xf32, #tpu.memory_space<vmem>>) target(%dma_start3A_240 : memref<128x128xf32, #tpu.memory_space<hbm>>) target_semaphore(%run_scoped3A : memref<!tpu.dma_semaphore, #tpu.memory_space<semaphore_mem>>)
      %dma_wait3A_241 = arith.constant 0 : i32
      %dma_wait3A_242 = tpu.memref_slice %arg10[%add3A_64, %dma_wait3A_241] : memref<16384x128xf32, #tpu.memory_space<hbm>> -> memref<128x128xf32, #tpu.memory_space<hbm>>
      %dma_wait3A_243 = arith.constant 0 : i32
      %dma_wait3A_244 = tpu.memref_slice %arg10[%add3A_64, %dma_wait3A_243] : memref<16384x128xf32, #tpu.memory_space<hbm>> -> memref<128x128xf32, #tpu.memory_space<hbm>>
      tpu.wait_dma2 semaphore(%run_scoped3A : memref<!tpu.dma_semaphore, #tpu.memory_space<semaphore_mem>>) src(%arg16 : memref<128x128xf32, #tpu.memory_space<vmem>>) dst(%dma_wait3A_244 : memref<128x128xf32, #tpu.memory_space<hbm>>)
      tpu.yield
    }) : () -> ()
    %dma_wait3A_114 = arith.constant 1 : i32
    %dma_wait3A_115 = arith.constant 0 : i32
    %dma_wait3A_116 = tpu.memref_slice %arg13[%dma_wait3A_114, %dma_wait3A_115] : memref<4x128xi32, #tpu.memory_space<vmem>> -> memref<1x128xi32, #tpu.memory_space<vmem>>
    %dma_wait3A_117 = tpu.memref_squeeze %dma_wait3A_116 : memref<1x128xi32, #tpu.memory_space<vmem>> -> memref<128xi32, #tpu.memory_space<vmem>>
    %dma_wait3A_118 = arith.constant 0 : i32
    %dma_wait3A_119 = arith.constant 0 : i32
    %dma_wait3A_120 = tpu.memref_slice %arg5[%dma_wait3A_118, %dma_wait3A_119] : memref<28672x128xf32, #tpu.memory_space<hbm>> -> memref<28672x128xf32, #tpu.memory_space<hbm>>
    tpu.wait_indirect_dma semaphore(%arg21 : memref<!tpu.dma_semaphore, #tpu.memory_space<semaphore_mem>>) src(%dma_wait3A_120 : memref<28672x128xf32, #tpu.memory_space<hbm>>) dst(%arg17 : memref<128x128xf32, #tpu.memory_space<vmem>>)
    "tpu.region"() ({
      %run_scoped3A = tpu.sem_alloc : memref<!tpu.dma_semaphore, #tpu.memory_space<semaphore_mem>>
      %dma_start3A_237 = arith.constant 0 : i32
      %dma_start3A_238 = tpu.memref_slice %arg11[%add3A_64, %dma_start3A_237] : memref<16384x128xf32, #tpu.memory_space<hbm>> -> memref<128x128xf32, #tpu.memory_space<hbm>>
      %dma_start3A_239 = arith.constant 0 : i32
      %dma_start3A_240 = tpu.memref_slice %arg11[%add3A_64, %dma_start3A_239] : memref<16384x128xf32, #tpu.memory_space<hbm>> -> memref<128x128xf32, #tpu.memory_space<hbm>>
      tpu.enqueue_dma source(%arg17 : memref<128x128xf32, #tpu.memory_space<vmem>>) target(%dma_start3A_240 : memref<128x128xf32, #tpu.memory_space<hbm>>) target_semaphore(%run_scoped3A : memref<!tpu.dma_semaphore, #tpu.memory_space<semaphore_mem>>)
      %dma_wait3A_241 = arith.constant 0 : i32
      %dma_wait3A_242 = tpu.memref_slice %arg11[%add3A_64, %dma_wait3A_241] : memref<16384x128xf32, #tpu.memory_space<hbm>> -> memref<128x128xf32, #tpu.memory_space<hbm>>
      %dma_wait3A_243 = arith.constant 0 : i32
      %dma_wait3A_244 = tpu.memref_slice %arg11[%add3A_64, %dma_wait3A_243] : memref<16384x128xf32, #tpu.memory_space<hbm>> -> memref<128x128xf32, #tpu.memory_space<hbm>>
      tpu.wait_dma2 semaphore(%run_scoped3A : memref<!tpu.dma_semaphore, #tpu.memory_space<semaphore_mem>>) src(%arg17 : memref<128x128xf32, #tpu.memory_space<vmem>>) dst(%dma_wait3A_244 : memref<128x128xf32, #tpu.memory_space<hbm>>)
      tpu.yield
    }) : () -> ()
    %add3A_121 = arith.constant 256 : i32
    %add3A_122 = arith.addi %mul3A_2, %add3A_121 : i32
    %dma_start3A_123 = arith.constant 2 : i32
    %dma_start3A_124 = arith.constant 0 : i32
    %dma_start3A_125 = tpu.memref_slice %arg12[%dma_start3A_123, %dma_start3A_124] : memref<4x128xi32, #tpu.memory_space<vmem>> -> memref<1x128xi32, #tpu.memory_space<vmem>>
    %dma_start3A_126 = tpu.memref_squeeze %dma_start3A_125 : memref<1x128xi32, #tpu.memory_space<vmem>> -> memref<128xi32, #tpu.memory_space<vmem>>
    %dma_start3A_127 = arith.constant 0 : i32
    %dma_start3A_128 = arith.constant 0 : i32
    %dma_start3A_129 = tpu.memref_slice %arg2[%dma_start3A_127, %dma_start3A_128] : memref<253952x128xf32, #tpu.memory_space<hbm>> -> memref<253952x128xf32, #tpu.memory_space<hbm>>
    tpu.enqueue_indirect_dma source(%dma_start3A_129 : memref<253952x128xf32, #tpu.memory_space<hbm>>) target(%arg14 : memref<128x128xf32, #tpu.memory_space<vmem>>) offsets(%dma_start3A_126 : memref<128xi32, #tpu.memory_space<vmem>>) semaphore(%arg18 : memref<!tpu.dma_semaphore, #tpu.memory_space<semaphore_mem>>)
    %dma_start3A_130 = arith.constant 2 : i32
    %dma_start3A_131 = arith.constant 0 : i32
    %dma_start3A_132 = tpu.memref_slice %arg13[%dma_start3A_130, %dma_start3A_131] : memref<4x128xi32, #tpu.memory_space<vmem>> -> memref<1x128xi32, #tpu.memory_space<vmem>>
    %dma_start3A_133 = tpu.memref_squeeze %dma_start3A_132 : memref<1x128xi32, #tpu.memory_space<vmem>> -> memref<128xi32, #tpu.memory_space<vmem>>
    %dma_start3A_134 = arith.constant 0 : i32
    %dma_start3A_135 = arith.constant 0 : i32
    %dma_start3A_136 = tpu.memref_slice %arg3[%dma_start3A_134, %dma_start3A_135] : memref<28672x128xf32, #tpu.memory_space<hbm>> -> memref<28672x128xf32, #tpu.memory_space<hbm>>
    tpu.enqueue_indirect_dma source(%dma_start3A_136 : memref<28672x128xf32, #tpu.memory_space<hbm>>) target(%arg15 : memref<128x128xf32, #tpu.memory_space<vmem>>) offsets(%dma_start3A_133 : memref<128xi32, #tpu.memory_space<vmem>>) semaphore(%arg19 : memref<!tpu.dma_semaphore, #tpu.memory_space<semaphore_mem>>)
    %dma_start3A_137 = arith.constant 2 : i32
    %dma_start3A_138 = arith.constant 0 : i32
    %dma_start3A_139 = tpu.memref_slice %arg12[%dma_start3A_137, %dma_start3A_138] : memref<4x128xi32, #tpu.memory_space<vmem>> -> memref<1x128xi32, #tpu.memory_space<vmem>>
    %dma_start3A_140 = tpu.memref_squeeze %dma_start3A_139 : memref<1x128xi32, #tpu.memory_space<vmem>> -> memref<128xi32, #tpu.memory_space<vmem>>
    %dma_start3A_141 = arith.constant 0 : i32
    %dma_start3A_142 = arith.constant 0 : i32
    %dma_start3A_143 = tpu.memref_slice %arg4[%dma_start3A_141, %dma_start3A_142] : memref<253952x128xf32, #tpu.memory_space<hbm>> -> memref<253952x128xf32, #tpu.memory_space<hbm>>
    tpu.enqueue_indirect_dma source(%dma_start3A_143 : memref<253952x128xf32, #tpu.memory_space<hbm>>) target(%arg16 : memref<128x128xf32, #tpu.memory_space<vmem>>) offsets(%dma_start3A_140 : memref<128xi32, #tpu.memory_space<vmem>>) semaphore(%arg20 : memref<!tpu.dma_semaphore, #tpu.memory_space<semaphore_mem>>)
    %dma_start3A_144 = arith.constant 2 : i32
    %dma_start3A_145 = arith.constant 0 : i32
    %dma_start3A_146 = tpu.memref_slice %arg13[%dma_start3A_144, %dma_start3A_145] : memref<4x128xi32, #tpu.memory_space<vmem>> -> memref<1x128xi32, #tpu.memory_space<vmem>>
    %dma_start3A_147 = tpu.memref_squeeze %dma_start3A_146 : memref<1x128xi32, #tpu.memory_space<vmem>> -> memref<128xi32, #tpu.memory_space<vmem>>
    %dma_start3A_148 = arith.constant 0 : i32
    %dma_start3A_149 = arith.constant 0 : i32
    %dma_start3A_150 = tpu.memref_slice %arg5[%dma_start3A_148, %dma_start3A_149] : memref<28672x128xf32, #tpu.memory_space<hbm>> -> memref<28672x128xf32, #tpu.memory_space<hbm>>
    tpu.enqueue_indirect_dma source(%dma_start3A_150 : memref<28672x128xf32, #tpu.memory_space<hbm>>) target(%arg17 : memref<128x128xf32, #tpu.memory_space<vmem>>) offsets(%dma_start3A_147 : memref<128xi32, #tpu.memory_space<vmem>>) semaphore(%arg21 : memref<!tpu.dma_semaphore, #tpu.memory_space<semaphore_mem>>)
    %dma_wait3A_151 = arith.constant 2 : i32
    %dma_wait3A_152 = arith.constant 0 : i32
    %dma_wait3A_153 = tpu.memref_slice %arg12[%dma_wait3A_151, %dma_wait3A_152] : memref<4x128xi32, #tpu.memory_space<vmem>> -> memref<1x128xi32, #tpu.memory_space<vmem>>
    %dma_wait3A_154 = tpu.memref_squeeze %dma_wait3A_153 : memref<1x128xi32, #tpu.memory_space<vmem>> -> memref<128xi32, #tpu.memory_space<vmem>>
    %dma_wait3A_155 = arith.constant 0 : i32
    %dma_wait3A_156 = arith.constant 0 : i32
    %dma_wait3A_157 = tpu.memref_slice %arg2[%dma_wait3A_155, %dma_wait3A_156] : memref<253952x128xf32, #tpu.memory_space<hbm>> -> memref<253952x128xf32, #tpu.memory_space<hbm>>
    tpu.wait_indirect_dma semaphore(%arg18 : memref<!tpu.dma_semaphore, #tpu.memory_space<semaphore_mem>>) src(%dma_wait3A_157 : memref<253952x128xf32, #tpu.memory_space<hbm>>) dst(%arg14 : memref<128x128xf32, #tpu.memory_space<vmem>>)
    "tpu.region"() ({
      %run_scoped3A = tpu.sem_alloc : memref<!tpu.dma_semaphore, #tpu.memory_space<semaphore_mem>>
      %dma_start3A_237 = arith.constant 0 : i32
      %dma_start3A_238 = tpu.memref_slice %arg8[%add3A_122, %dma_start3A_237] : memref<16384x128xf32, #tpu.memory_space<hbm>> -> memref<128x128xf32, #tpu.memory_space<hbm>>
      %dma_start3A_239 = arith.constant 0 : i32
      %dma_start3A_240 = tpu.memref_slice %arg8[%add3A_122, %dma_start3A_239] : memref<16384x128xf32, #tpu.memory_space<hbm>> -> memref<128x128xf32, #tpu.memory_space<hbm>>
      tpu.enqueue_dma source(%arg14 : memref<128x128xf32, #tpu.memory_space<vmem>>) target(%dma_start3A_240 : memref<128x128xf32, #tpu.memory_space<hbm>>) target_semaphore(%run_scoped3A : memref<!tpu.dma_semaphore, #tpu.memory_space<semaphore_mem>>)
      %dma_wait3A_241 = arith.constant 0 : i32
      %dma_wait3A_242 = tpu.memref_slice %arg8[%add3A_122, %dma_wait3A_241] : memref<16384x128xf32, #tpu.memory_space<hbm>> -> memref<128x128xf32, #tpu.memory_space<hbm>>
      %dma_wait3A_243 = arith.constant 0 : i32
      %dma_wait3A_244 = tpu.memref_slice %arg8[%add3A_122, %dma_wait3A_243] : memref<16384x128xf32, #tpu.memory_space<hbm>> -> memref<128x128xf32, #tpu.memory_space<hbm>>
      tpu.wait_dma2 semaphore(%run_scoped3A : memref<!tpu.dma_semaphore, #tpu.memory_space<semaphore_mem>>) src(%arg14 : memref<128x128xf32, #tpu.memory_space<vmem>>) dst(%dma_wait3A_244 : memref<128x128xf32, #tpu.memory_space<hbm>>)
      tpu.yield
    }) : () -> ()
    %dma_wait3A_158 = arith.constant 2 : i32
    %dma_wait3A_159 = arith.constant 0 : i32
    %dma_wait3A_160 = tpu.memref_slice %arg13[%dma_wait3A_158, %dma_wait3A_159] : memref<4x128xi32, #tpu.memory_space<vmem>> -> memref<1x128xi32, #tpu.memory_space<vmem>>
    %dma_wait3A_161 = tpu.memref_squeeze %dma_wait3A_160 : memref<1x128xi32, #tpu.memory_space<vmem>> -> memref<128xi32, #tpu.memory_space<vmem>>
    %dma_wait3A_162 = arith.constant 0 : i32
    %dma_wait3A_163 = arith.constant 0 : i32
    %dma_wait3A_164 = tpu.memref_slice %arg3[%dma_wait3A_162, %dma_wait3A_163] : memref<28672x128xf32, #tpu.memory_space<hbm>> -> memref<28672x128xf32, #tpu.memory_space<hbm>>
    tpu.wait_indirect_dma semaphore(%arg19 : memref<!tpu.dma_semaphore, #tpu.memory_space<semaphore_mem>>) src(%dma_wait3A_164 : memref<28672x128xf32, #tpu.memory_space<hbm>>) dst(%arg15 : memref<128x128xf32, #tpu.memory_space<vmem>>)
    "tpu.region"() ({
      %run_scoped3A = tpu.sem_alloc : memref<!tpu.dma_semaphore, #tpu.memory_space<semaphore_mem>>
      %dma_start3A_237 = arith.constant 0 : i32
      %dma_start3A_238 = tpu.memref_slice %arg9[%add3A_122, %dma_start3A_237] : memref<16384x128xf32, #tpu.memory_space<hbm>> -> memref<128x128xf32, #tpu.memory_space<hbm>>
      %dma_start3A_239 = arith.constant 0 : i32
      %dma_start3A_240 = tpu.memref_slice %arg9[%add3A_122, %dma_start3A_239] : memref<16384x128xf32, #tpu.memory_space<hbm>> -> memref<128x128xf32, #tpu.memory_space<hbm>>
      tpu.enqueue_dma source(%arg15 : memref<128x128xf32, #tpu.memory_space<vmem>>) target(%dma_start3A_240 : memref<128x128xf32, #tpu.memory_space<hbm>>) target_semaphore(%run_scoped3A : memref<!tpu.dma_semaphore, #tpu.memory_space<semaphore_mem>>)
      %dma_wait3A_241 = arith.constant 0 : i32
      %dma_wait3A_242 = tpu.memref_slice %arg9[%add3A_122, %dma_wait3A_241] : memref<16384x128xf32, #tpu.memory_space<hbm>> -> memref<128x128xf32, #tpu.memory_space<hbm>>
      %dma_wait3A_243 = arith.constant 0 : i32
      %dma_wait3A_244 = tpu.memref_slice %arg9[%add3A_122, %dma_wait3A_243] : memref<16384x128xf32, #tpu.memory_space<hbm>> -> memref<128x128xf32, #tpu.memory_space<hbm>>
      tpu.wait_dma2 semaphore(%run_scoped3A : memref<!tpu.dma_semaphore, #tpu.memory_space<semaphore_mem>>) src(%arg15 : memref<128x128xf32, #tpu.memory_space<vmem>>) dst(%dma_wait3A_244 : memref<128x128xf32, #tpu.memory_space<hbm>>)
      tpu.yield
    }) : () -> ()
    %dma_wait3A_165 = arith.constant 2 : i32
    %dma_wait3A_166 = arith.constant 0 : i32
    %dma_wait3A_167 = tpu.memref_slice %arg12[%dma_wait3A_165, %dma_wait3A_166] : memref<4x128xi32, #tpu.memory_space<vmem>> -> memref<1x128xi32, #tpu.memory_space<vmem>>
    %dma_wait3A_168 = tpu.memref_squeeze %dma_wait3A_167 : memref<1x128xi32, #tpu.memory_space<vmem>> -> memref<128xi32, #tpu.memory_space<vmem>>
    %dma_wait3A_169 = arith.constant 0 : i32
    %dma_wait3A_170 = arith.constant 0 : i32
    %dma_wait3A_171 = tpu.memref_slice %arg4[%dma_wait3A_169, %dma_wait3A_170] : memref<253952x128xf32, #tpu.memory_space<hbm>> -> memref<253952x128xf32, #tpu.memory_space<hbm>>
    tpu.wait_indirect_dma semaphore(%arg20 : memref<!tpu.dma_semaphore, #tpu.memory_space<semaphore_mem>>) src(%dma_wait3A_171 : memref<253952x128xf32, #tpu.memory_space<hbm>>) dst(%arg16 : memref<128x128xf32, #tpu.memory_space<vmem>>)
    "tpu.region"() ({
      %run_scoped3A = tpu.sem_alloc : memref<!tpu.dma_semaphore, #tpu.memory_space<semaphore_mem>>
      %dma_start3A_237 = arith.constant 0 : i32
      %dma_start3A_238 = tpu.memref_slice %arg10[%add3A_122, %dma_start3A_237] : memref<16384x128xf32, #tpu.memory_space<hbm>> -> memref<128x128xf32, #tpu.memory_space<hbm>>
      %dma_start3A_239 = arith.constant 0 : i32
      %dma_start3A_240 = tpu.memref_slice %arg10[%add3A_122, %dma_start3A_239] : memref<16384x128xf32, #tpu.memory_space<hbm>> -> memref<128x128xf32, #tpu.memory_space<hbm>>
      tpu.enqueue_dma source(%arg16 : memref<128x128xf32, #tpu.memory_space<vmem>>) target(%dma_start3A_240 : memref<128x128xf32, #tpu.memory_space<hbm>>) target_semaphore(%run_scoped3A : memref<!tpu.dma_semaphore, #tpu.memory_space<semaphore_mem>>)
      %dma_wait3A_241 = arith.constant 0 : i32
      %dma_wait3A_242 = tpu.memref_slice %arg10[%add3A_122, %dma_wait3A_241] : memref<16384x128xf32, #tpu.memory_space<hbm>> -> memref<128x128xf32, #tpu.memory_space<hbm>>
      %dma_wait3A_243 = arith.constant 0 : i32
      %dma_wait3A_244 = tpu.memref_slice %arg10[%add3A_122, %dma_wait3A_243] : memref<16384x128xf32, #tpu.memory_space<hbm>> -> memref<128x128xf32, #tpu.memory_space<hbm>>
      tpu.wait_dma2 semaphore(%run_scoped3A : memref<!tpu.dma_semaphore, #tpu.memory_space<semaphore_mem>>) src(%arg16 : memref<128x128xf32, #tpu.memory_space<vmem>>) dst(%dma_wait3A_244 : memref<128x128xf32, #tpu.memory_space<hbm>>)
      tpu.yield
    }) : () -> ()
    %dma_wait3A_172 = arith.constant 2 : i32
    %dma_wait3A_173 = arith.constant 0 : i32
    %dma_wait3A_174 = tpu.memref_slice %arg13[%dma_wait3A_172, %dma_wait3A_173] : memref<4x128xi32, #tpu.memory_space<vmem>> -> memref<1x128xi32, #tpu.memory_space<vmem>>
    %dma_wait3A_175 = tpu.memref_squeeze %dma_wait3A_174 : memref<1x128xi32, #tpu.memory_space<vmem>> -> memref<128xi32, #tpu.memory_space<vmem>>
    %dma_wait3A_176 = arith.constant 0 : i32
    %dma_wait3A_177 = arith.constant 0 : i32
    %dma_wait3A_178 = tpu.memref_slice %arg5[%dma_wait3A_176, %dma_wait3A_177] : memref<28672x128xf32, #tpu.memory_space<hbm>> -> memref<28672x128xf32, #tpu.memory_space<hbm>>
    tpu.wait_indirect_dma semaphore(%arg21 : memref<!tpu.dma_semaphore, #tpu.memory_space<semaphore_mem>>) src(%dma_wait3A_178 : memref<28672x128xf32, #tpu.memory_space<hbm>>) dst(%arg17 : memref<128x128xf32, #tpu.memory_space<vmem>>)
    "tpu.region"() ({
      %run_scoped3A = tpu.sem_alloc : memref<!tpu.dma_semaphore, #tpu.memory_space<semaphore_mem>>
      %dma_start3A_237 = arith.constant 0 : i32
      %dma_start3A_238 = tpu.memref_slice %arg11[%add3A_122, %dma_start3A_237] : memref<16384x128xf32, #tpu.memory_space<hbm>> -> memref<128x128xf32, #tpu.memory_space<hbm>>
      %dma_start3A_239 = arith.constant 0 : i32
      %dma_start3A_240 = tpu.memref_slice %arg11[%add3A_122, %dma_start3A_239] : memref<16384x128xf32, #tpu.memory_space<hbm>> -> memref<128x128xf32, #tpu.memory_space<hbm>>
      tpu.enqueue_dma source(%arg17 : memref<128x128xf32, #tpu.memory_space<vmem>>) target(%dma_start3A_240 : memref<128x128xf32, #tpu.memory_space<hbm>>) target_semaphore(%run_scoped3A : memref<!tpu.dma_semaphore, #tpu.memory_space<semaphore_mem>>)
      %dma_wait3A_241 = arith.constant 0 : i32
      %dma_wait3A_242 = tpu.memref_slice %arg11[%add3A_122, %dma_wait3A_241] : memref<16384x128xf32, #tpu.memory_space<hbm>> -> memref<128x128xf32, #tpu.memory_space<hbm>>
      %dma_wait3A_243 = arith.constant 0 : i32
      %dma_wait3A_244 = tpu.memref_slice %arg11[%add3A_122, %dma_wait3A_243] : memref<16384x128xf32, #tpu.memory_space<hbm>> -> memref<128x128xf32, #tpu.memory_space<hbm>>
      tpu.wait_dma2 semaphore(%run_scoped3A : memref<!tpu.dma_semaphore, #tpu.memory_space<semaphore_mem>>) src(%arg17 : memref<128x128xf32, #tpu.memory_space<vmem>>) dst(%dma_wait3A_244 : memref<128x128xf32, #tpu.memory_space<hbm>>)
      tpu.yield
    }) : () -> ()
    %add3A_179 = arith.constant 384 : i32
    %add3A_180 = arith.addi %mul3A_2, %add3A_179 : i32
    %dma_start3A_181 = arith.constant 3 : i32
    %dma_start3A_182 = arith.constant 0 : i32
    %dma_start3A_183 = tpu.memref_slice %arg12[%dma_start3A_181, %dma_start3A_182] : memref<4x128xi32, #tpu.memory_space<vmem>> -> memref<1x128xi32, #tpu.memory_space<vmem>>
    %dma_start3A_184 = tpu.memref_squeeze %dma_start3A_183 : memref<1x128xi32, #tpu.memory_space<vmem>> -> memref<128xi32, #tpu.memory_space<vmem>>
    %dma_start3A_185 = arith.constant 0 : i32
    %dma_start3A_186 = arith.constant 0 : i32
    %dma_start3A_187 = tpu.memref_slice %arg2[%dma_start3A_185, %dma_start3A_186] : memref<253952x128xf32, #tpu.memory_space<hbm>> -> memref<253952x128xf32, #tpu.memory_space<hbm>>
    tpu.enqueue_indirect_dma source(%dma_start3A_187 : memref<253952x128xf32, #tpu.memory_space<hbm>>) target(%arg14 : memref<128x128xf32, #tpu.memory_space<vmem>>) offsets(%dma_start3A_184 : memref<128xi32, #tpu.memory_space<vmem>>) semaphore(%arg18 : memref<!tpu.dma_semaphore, #tpu.memory_space<semaphore_mem>>)
    %dma_start3A_188 = arith.constant 3 : i32
    %dma_start3A_189 = arith.constant 0 : i32
    %dma_start3A_190 = tpu.memref_slice %arg13[%dma_start3A_188, %dma_start3A_189] : memref<4x128xi32, #tpu.memory_space<vmem>> -> memref<1x128xi32, #tpu.memory_space<vmem>>
    %dma_start3A_191 = tpu.memref_squeeze %dma_start3A_190 : memref<1x128xi32, #tpu.memory_space<vmem>> -> memref<128xi32, #tpu.memory_space<vmem>>
    %dma_start3A_192 = arith.constant 0 : i32
    %dma_start3A_193 = arith.constant 0 : i32
    %dma_start3A_194 = tpu.memref_slice %arg3[%dma_start3A_192, %dma_start3A_193] : memref<28672x128xf32, #tpu.memory_space<hbm>> -> memref<28672x128xf32, #tpu.memory_space<hbm>>
    tpu.enqueue_indirect_dma source(%dma_start3A_194 : memref<28672x128xf32, #tpu.memory_space<hbm>>) target(%arg15 : memref<128x128xf32, #tpu.memory_space<vmem>>) offsets(%dma_start3A_191 : memref<128xi32, #tpu.memory_space<vmem>>) semaphore(%arg19 : memref<!tpu.dma_semaphore, #tpu.memory_space<semaphore_mem>>)
    %dma_start3A_195 = arith.constant 3 : i32
    %dma_start3A_196 = arith.constant 0 : i32
    %dma_start3A_197 = tpu.memref_slice %arg12[%dma_start3A_195, %dma_start3A_196] : memref<4x128xi32, #tpu.memory_space<vmem>> -> memref<1x128xi32, #tpu.memory_space<vmem>>
    %dma_start3A_198 = tpu.memref_squeeze %dma_start3A_197 : memref<1x128xi32, #tpu.memory_space<vmem>> -> memref<128xi32, #tpu.memory_space<vmem>>
    %dma_start3A_199 = arith.constant 0 : i32
    %dma_start3A_200 = arith.constant 0 : i32
    %dma_start3A_201 = tpu.memref_slice %arg4[%dma_start3A_199, %dma_start3A_200] : memref<253952x128xf32, #tpu.memory_space<hbm>> -> memref<253952x128xf32, #tpu.memory_space<hbm>>
    tpu.enqueue_indirect_dma source(%dma_start3A_201 : memref<253952x128xf32, #tpu.memory_space<hbm>>) target(%arg16 : memref<128x128xf32, #tpu.memory_space<vmem>>) offsets(%dma_start3A_198 : memref<128xi32, #tpu.memory_space<vmem>>) semaphore(%arg20 : memref<!tpu.dma_semaphore, #tpu.memory_space<semaphore_mem>>)
    %dma_start3A_202 = arith.constant 3 : i32
    %dma_start3A_203 = arith.constant 0 : i32
    %dma_start3A_204 = tpu.memref_slice %arg13[%dma_start3A_202, %dma_start3A_203] : memref<4x128xi32, #tpu.memory_space<vmem>> -> memref<1x128xi32, #tpu.memory_space<vmem>>
    %dma_start3A_205 = tpu.memref_squeeze %dma_start3A_204 : memref<1x128xi32, #tpu.memory_space<vmem>> -> memref<128xi32, #tpu.memory_space<vmem>>
    %dma_start3A_206 = arith.constant 0 : i32
    %dma_start3A_207 = arith.constant 0 : i32
    %dma_start3A_208 = tpu.memref_slice %arg5[%dma_start3A_206, %dma_start3A_207] : memref<28672x128xf32, #tpu.memory_space<hbm>> -> memref<28672x128xf32, #tpu.memory_space<hbm>>
    tpu.enqueue_indirect_dma source(%dma_start3A_208 : memref<28672x128xf32, #tpu.memory_space<hbm>>) target(%arg17 : memref<128x128xf32, #tpu.memory_space<vmem>>) offsets(%dma_start3A_205 : memref<128xi32, #tpu.memory_space<vmem>>) semaphore(%arg21 : memref<!tpu.dma_semaphore, #tpu.memory_space<semaphore_mem>>)
    %dma_wait3A_209 = arith.constant 3 : i32
    %dma_wait3A_210 = arith.constant 0 : i32
    %dma_wait3A_211 = tpu.memref_slice %arg12[%dma_wait3A_209, %dma_wait3A_210] : memref<4x128xi32, #tpu.memory_space<vmem>> -> memref<1x128xi32, #tpu.memory_space<vmem>>
    %dma_wait3A_212 = tpu.memref_squeeze %dma_wait3A_211 : memref<1x128xi32, #tpu.memory_space<vmem>> -> memref<128xi32, #tpu.memory_space<vmem>>
    %dma_wait3A_213 = arith.constant 0 : i32
    %dma_wait3A_214 = arith.constant 0 : i32
    %dma_wait3A_215 = tpu.memref_slice %arg2[%dma_wait3A_213, %dma_wait3A_214] : memref<253952x128xf32, #tpu.memory_space<hbm>> -> memref<253952x128xf32, #tpu.memory_space<hbm>>
    tpu.wait_indirect_dma semaphore(%arg18 : memref<!tpu.dma_semaphore, #tpu.memory_space<semaphore_mem>>) src(%dma_wait3A_215 : memref<253952x128xf32, #tpu.memory_space<hbm>>) dst(%arg14 : memref<128x128xf32, #tpu.memory_space<vmem>>)
    "tpu.region"() ({
      %run_scoped3A = tpu.sem_alloc : memref<!tpu.dma_semaphore, #tpu.memory_space<semaphore_mem>>
      %dma_start3A_237 = arith.constant 0 : i32
      %dma_start3A_238 = tpu.memref_slice %arg8[%add3A_180, %dma_start3A_237] : memref<16384x128xf32, #tpu.memory_space<hbm>> -> memref<128x128xf32, #tpu.memory_space<hbm>>
      %dma_start3A_239 = arith.constant 0 : i32
      %dma_start3A_240 = tpu.memref_slice %arg8[%add3A_180, %dma_start3A_239] : memref<16384x128xf32, #tpu.memory_space<hbm>> -> memref<128x128xf32, #tpu.memory_space<hbm>>
      tpu.enqueue_dma source(%arg14 : memref<128x128xf32, #tpu.memory_space<vmem>>) target(%dma_start3A_240 : memref<128x128xf32, #tpu.memory_space<hbm>>) target_semaphore(%run_scoped3A : memref<!tpu.dma_semaphore, #tpu.memory_space<semaphore_mem>>)
      %dma_wait3A_241 = arith.constant 0 : i32
      %dma_wait3A_242 = tpu.memref_slice %arg8[%add3A_180, %dma_wait3A_241] : memref<16384x128xf32, #tpu.memory_space<hbm>> -> memref<128x128xf32, #tpu.memory_space<hbm>>
      %dma_wait3A_243 = arith.constant 0 : i32
      %dma_wait3A_244 = tpu.memref_slice %arg8[%add3A_180, %dma_wait3A_243] : memref<16384x128xf32, #tpu.memory_space<hbm>> -> memref<128x128xf32, #tpu.memory_space<hbm>>
      tpu.wait_dma2 semaphore(%run_scoped3A : memref<!tpu.dma_semaphore, #tpu.memory_space<semaphore_mem>>) src(%arg14 : memref<128x128xf32, #tpu.memory_space<vmem>>) dst(%dma_wait3A_244 : memref<128x128xf32, #tpu.memory_space<hbm>>)
      tpu.yield
    }) : () -> ()
    %dma_wait3A_216 = arith.constant 3 : i32
    %dma_wait3A_217 = arith.constant 0 : i32
    %dma_wait3A_218 = tpu.memref_slice %arg13[%dma_wait3A_216, %dma_wait3A_217] : memref<4x128xi32, #tpu.memory_space<vmem>> -> memref<1x128xi32, #tpu.memory_space<vmem>>
    %dma_wait3A_219 = tpu.memref_squeeze %dma_wait3A_218 : memref<1x128xi32, #tpu.memory_space<vmem>> -> memref<128xi32, #tpu.memory_space<vmem>>
    %dma_wait3A_220 = arith.constant 0 : i32
    %dma_wait3A_221 = arith.constant 0 : i32
    %dma_wait3A_222 = tpu.memref_slice %arg3[%dma_wait3A_220, %dma_wait3A_221] : memref<28672x128xf32, #tpu.memory_space<hbm>> -> memref<28672x128xf32, #tpu.memory_space<hbm>>
    tpu.wait_indirect_dma semaphore(%arg19 : memref<!tpu.dma_semaphore, #tpu.memory_space<semaphore_mem>>) src(%dma_wait3A_222 : memref<28672x128xf32, #tpu.memory_space<hbm>>) dst(%arg15 : memref<128x128xf32, #tpu.memory_space<vmem>>)
    "tpu.region"() ({
      %run_scoped3A = tpu.sem_alloc : memref<!tpu.dma_semaphore, #tpu.memory_space<semaphore_mem>>
      %dma_start3A_237 = arith.constant 0 : i32
      %dma_start3A_238 = tpu.memref_slice %arg9[%add3A_180, %dma_start3A_237] : memref<16384x128xf32, #tpu.memory_space<hbm>> -> memref<128x128xf32, #tpu.memory_space<hbm>>
      %dma_start3A_239 = arith.constant 0 : i32
      %dma_start3A_240 = tpu.memref_slice %arg9[%add3A_180, %dma_start3A_239] : memref<16384x128xf32, #tpu.memory_space<hbm>> -> memref<128x128xf32, #tpu.memory_space<hbm>>
      tpu.enqueue_dma source(%arg15 : memref<128x128xf32, #tpu.memory_space<vmem>>) target(%dma_start3A_240 : memref<128x128xf32, #tpu.memory_space<hbm>>) target_semaphore(%run_scoped3A : memref<!tpu.dma_semaphore, #tpu.memory_space<semaphore_mem>>)
      %dma_wait3A_241 = arith.constant 0 : i32
      %dma_wait3A_242 = tpu.memref_slice %arg9[%add3A_180, %dma_wait3A_241] : memref<16384x128xf32, #tpu.memory_space<hbm>> -> memref<128x128xf32, #tpu.memory_space<hbm>>
      %dma_wait3A_243 = arith.constant 0 : i32
      %dma_wait3A_244 = tpu.memref_slice %arg9[%add3A_180, %dma_wait3A_243] : memref<16384x128xf32, #tpu.memory_space<hbm>> -> memref<128x128xf32, #tpu.memory_space<hbm>>
      tpu.wait_dma2 semaphore(%run_scoped3A : memref<!tpu.dma_semaphore, #tpu.memory_space<semaphore_mem>>) src(%arg15 : memref<128x128xf32, #tpu.memory_space<vmem>>) dst(%dma_wait3A_244 : memref<128x128xf32, #tpu.memory_space<hbm>>)
      tpu.yield
    }) : () -> ()
    %dma_wait3A_223 = arith.constant 3 : i32
    %dma_wait3A_224 = arith.constant 0 : i32
    %dma_wait3A_225 = tpu.memref_slice %arg12[%dma_wait3A_223, %dma_wait3A_224] : memref<4x128xi32, #tpu.memory_space<vmem>> -> memref<1x128xi32, #tpu.memory_space<vmem>>
    %dma_wait3A_226 = tpu.memref_squeeze %dma_wait3A_225 : memref<1x128xi32, #tpu.memory_space<vmem>> -> memref<128xi32, #tpu.memory_space<vmem>>
    %dma_wait3A_227 = arith.constant 0 : i32
    %dma_wait3A_228 = arith.constant 0 : i32
    %dma_wait3A_229 = tpu.memref_slice %arg4[%dma_wait3A_227, %dma_wait3A_228] : memref<253952x128xf32, #tpu.memory_space<hbm>> -> memref<253952x128xf32, #tpu.memory_space<hbm>>
    tpu.wait_indirect_dma semaphore(%arg20 : memref<!tpu.dma_semaphore, #tpu.memory_space<semaphore_mem>>) src(%dma_wait3A_229 : memref<253952x128xf32, #tpu.memory_space<hbm>>) dst(%arg16 : memref<128x128xf32, #tpu.memory_space<vmem>>)
    "tpu.region"() ({
      %run_scoped3A = tpu.sem_alloc : memref<!tpu.dma_semaphore, #tpu.memory_space<semaphore_mem>>
      %dma_start3A_237 = arith.constant 0 : i32
      %dma_start3A_238 = tpu.memref_slice %arg10[%add3A_180, %dma_start3A_237] : memref<16384x128xf32, #tpu.memory_space<hbm>> -> memref<128x128xf32, #tpu.memory_space<hbm>>
      %dma_start3A_239 = arith.constant 0 : i32
      %dma_start3A_240 = tpu.memref_slice %arg10[%add3A_180, %dma_start3A_239] : memref<16384x128xf32, #tpu.memory_space<hbm>> -> memref<128x128xf32, #tpu.memory_space<hbm>>
      tpu.enqueue_dma source(%arg16 : memref<128x128xf32, #tpu.memory_space<vmem>>) target(%dma_start3A_240 : memref<128x128xf32, #tpu.memory_space<hbm>>) target_semaphore(%run_scoped3A : memref<!tpu.dma_semaphore, #tpu.memory_space<semaphore_mem>>)
      %dma_wait3A_241 = arith.constant 0 : i32
      %dma_wait3A_242 = tpu.memref_slice %arg10[%add3A_180, %dma_wait3A_241] : memref<16384x128xf32, #tpu.memory_space<hbm>> -> memref<128x128xf32, #tpu.memory_space<hbm>>
      %dma_wait3A_243 = arith.constant 0 : i32
      %dma_wait3A_244 = tpu.memref_slice %arg10[%add3A_180, %dma_wait3A_243] : memref<16384x128xf32, #tpu.memory_space<hbm>> -> memref<128x128xf32, #tpu.memory_space<hbm>>
      tpu.wait_dma2 semaphore(%run_scoped3A : memref<!tpu.dma_semaphore, #tpu.memory_space<semaphore_mem>>) src(%arg16 : memref<128x128xf32, #tpu.memory_space<vmem>>) dst(%dma_wait3A_244 : memref<128x128xf32, #tpu.memory_space<hbm>>)
      tpu.yield
    }) : () -> ()
    %dma_wait3A_230 = arith.constant 3 : i32
    %dma_wait3A_231 = arith.constant 0 : i32
    %dma_wait3A_232 = tpu.memref_slice %arg13[%dma_wait3A_230, %dma_wait3A_231] : memref<4x128xi32, #tpu.memory_space<vmem>> -> memref<1x128xi32, #tpu.memory_space<vmem>>
    %dma_wait3A_233 = tpu.memref_squeeze %dma_wait3A_232 : memref<1x128xi32, #tpu.memory_space<vmem>> -> memref<128xi32, #tpu.memory_space<vmem>>
    %dma_wait3A_234 = arith.constant 0 : i32
    %dma_wait3A_235 = arith.constant 0 : i32
    %dma_wait3A_236 = tpu.memref_slice %arg5[%dma_wait3A_234, %dma_wait3A_235] : memref<28672x128xf32, #tpu.memory_space<hbm>> -> memref<28672x128xf32, #tpu.memory_space<hbm>>
    tpu.wait_indirect_dma semaphore(%arg21 : memref<!tpu.dma_semaphore, #tpu.memory_space<semaphore_mem>>) src(%dma_wait3A_236 : memref<28672x128xf32, #tpu.memory_space<hbm>>) dst(%arg17 : memref<128x128xf32, #tpu.memory_space<vmem>>)
    "tpu.region"() ({
      %run_scoped3A = tpu.sem_alloc : memref<!tpu.dma_semaphore, #tpu.memory_space<semaphore_mem>>
      %dma_start3A_237 = arith.constant 0 : i32
      %dma_start3A_238 = tpu.memref_slice %arg11[%add3A_180, %dma_start3A_237] : memref<16384x128xf32, #tpu.memory_space<hbm>> -> memref<128x128xf32, #tpu.memory_space<hbm>>
      %dma_start3A_239 = arith.constant 0 : i32
      %dma_start3A_240 = tpu.memref_slice %arg11[%add3A_180, %dma_start3A_239] : memref<16384x128xf32, #tpu.memory_space<hbm>> -> memref<128x128xf32, #tpu.memory_space<hbm>>
      tpu.enqueue_dma source(%arg17 : memref<128x128xf32, #tpu.memory_space<vmem>>) target(%dma_start3A_240 : memref<128x128xf32, #tpu.memory_space<hbm>>) target_semaphore(%run_scoped3A : memref<!tpu.dma_semaphore, #tpu.memory_space<semaphore_mem>>)
      %dma_wait3A_241 = arith.constant 0 : i32
      %dma_wait3A_242 = tpu.memref_slice %arg11[%add3A_180, %dma_wait3A_241] : memref<16384x128xf32, #tpu.memory_space<hbm>> -> memref<128x128xf32, #tpu.memory_space<hbm>>
      %dma_wait3A_243 = arith.constant 0 : i32
      %dma_wait3A_244 = tpu.memref_slice %arg11[%add3A_180, %dma_wait3A_243] : memref<16384x128xf32, #tpu.memory_space<hbm>> -> memref<128x128xf32, #tpu.memory_space<hbm>>
      tpu.wait_dma2 semaphore(%run_scoped3A : memref<!tpu.dma_semaphore, #tpu.memory_space<semaphore_mem>>) src(%arg17 : memref<128x128xf32, #tpu.memory_space<vmem>>) dst(%dma_wait3A_244 : memref<128x128xf32, #tpu.memory_space<hbm>>)
      tpu.yield
    }) : () -> ()
    return
  }
}

module attributes {stable_mosaic.version = 14 : i64} {
  func.func @body(%arg0: i32, %arg1: memref<32x4096xf32, #tpu.memory_space<vmem>>, %arg2: memref<32x4096xf32, #tpu.memory_space<vmem>>, %arg3: memref<32x4096xf32, #tpu.memory_space<vmem>>, %arg4: memref<32x4096xf32, #tpu.memory_space<vmem>>, %arg5: memref<4096x128xf32, #tpu.memory_space<vmem>>) attributes {dimension_semantics = [#tpu.dimension_semantics<parallel>], iteration_bounds = array<i64: 7>, scalar_prefetch = 0 : i64, scratch_operands = 0 : i64, tpu.core_type = #tpu.core_type<tc>, window_params = [{transform_indices = @transform_0, window_bounds = array<i64: 32, 4096>}, {transform_indices = @transform_1, window_bounds = array<i64: 32, 4096>}, {transform_indices = @transform_2, window_bounds = array<i64: 32, 4096>}, {transform_indices = @transform_3, window_bounds = array<i64: 32, 4096>}, {transform_indices = @transform_4, window_bounds = array<i64: 4096, 128>}]} {
    %get3A = arith.constant 0 : index
    %get3A_0 = arith.constant 0 : index
    %get3A_1 = vector.load %arg1[%get3A, %get3A_0] : memref<32x4096xf32, #tpu.memory_space<vmem>>, vector<32x4096xf32>
    %transpose3A = tpu.transpose %get3A_1, [1, 0] : vector<32x4096xf32> -> vector<4096x32xf32>
    %swap3A = arith.constant 0 : index
    %swap3A_2 = arith.constant 0 : index
    %swap3A_3 = vector.load %arg5[%swap3A, %swap3A_2] : memref<4096x128xf32, #tpu.memory_space<vmem>>, vector<4096x32xf32>
    tpu.vector_store %arg5[%swap3A, %swap3A_2], %transpose3A {strides = array<i32>} : memref<4096x128xf32, #tpu.memory_space<vmem>>, vector<4096x32xf32>,
    %get3A_4 = arith.constant 0 : index
    %get3A_5 = arith.constant 0 : index
    %get3A_6 = vector.load %arg2[%get3A_4, %get3A_5] : memref<32x4096xf32, #tpu.memory_space<vmem>>, vector<32x4096xf32>
    %transpose3A_7 = tpu.transpose %get3A_6, [1, 0] : vector<32x4096xf32> -> vector<4096x32xf32>
    %swap3A_8 = arith.constant 0 : index
    %swap3A_9 = arith.constant 32 : index
    %swap3A_10 = vector.load %arg5[%swap3A_8, %swap3A_9] : memref<4096x128xf32, #tpu.memory_space<vmem>>, vector<4096x32xf32>
    tpu.vector_store %arg5[%swap3A_8, %swap3A_9], %transpose3A_7 {strides = array<i32>} : memref<4096x128xf32, #tpu.memory_space<vmem>>, vector<4096x32xf32>,
    %get3A_11 = arith.constant 0 : index
    %get3A_12 = arith.constant 0 : index
    %get3A_13 = vector.load %arg3[%get3A_11, %get3A_12] : memref<32x4096xf32, #tpu.memory_space<vmem>>, vector<32x4096xf32>
    %transpose3A_14 = tpu.transpose %get3A_13, [1, 0] : vector<32x4096xf32> -> vector<4096x32xf32>
    %swap3A_15 = arith.constant 0 : index
    %swap3A_16 = arith.constant 64 : index
    %swap3A_17 = vector.load %arg5[%swap3A_15, %swap3A_16] : memref<4096x128xf32, #tpu.memory_space<vmem>>, vector<4096x32xf32>
    tpu.vector_store %arg5[%swap3A_15, %swap3A_16], %transpose3A_14 {strides = array<i32>} : memref<4096x128xf32, #tpu.memory_space<vmem>>, vector<4096x32xf32>,
    %get3A_18 = arith.constant 0 : index
    %get3A_19 = arith.constant 0 : index
    %get3A_20 = vector.load %arg4[%get3A_18, %get3A_19] : memref<32x4096xf32, #tpu.memory_space<vmem>>, vector<32x4096xf32>
    %transpose3A_21 = tpu.transpose %get3A_20, [1, 0] : vector<32x4096xf32> -> vector<4096x32xf32>
    %swap3A_22 = arith.constant 0 : index
    %swap3A_23 = arith.constant 96 : index
    %swap3A_24 = vector.load %arg5[%swap3A_22, %swap3A_23] : memref<4096x128xf32, #tpu.memory_space<vmem>>, vector<4096x32xf32>
    tpu.vector_store %arg5[%swap3A_22, %swap3A_23], %transpose3A_21 {strides = array<i32>} : memref<4096x128xf32, #tpu.memory_space<vmem>>, vector<4096x32xf32>,
    return
  }
  func.func @transform_0(%arg0: i32) -> (i32, i32) {
    %mul3A = arith.constant 4 : i32
    %mul3A_0 = arith.muli %mul3A, %arg0 : i32
    %add3A = arith.constant 0 : i32
    %add3A_1 = arith.addi %mul3A_0, %add3A : i32
    %min3A = arith.constant 24 : i32
    %min3A_2 = arith.minsi %add3A_1, %min3A : i32
    %c0_i32 = arith.constant 0 : i32
    %c0_i32_3 = arith.constant 0 : i32
    return %c0_i32, %min3A_2 : i32, i32
  }
  func.func @transform_1(%arg0: i32) -> (i32, i32) {
    %mul3A = arith.constant 4 : i32
    %mul3A_0 = arith.muli %mul3A, %arg0 : i32
    %add3A = arith.constant 1 : i32
    %add3A_1 = arith.addi %mul3A_0, %add3A : i32
    %min3A = arith.constant 24 : i32
    %min3A_2 = arith.minsi %add3A_1, %min3A : i32
    %c0_i32 = arith.constant 0 : i32
    %c0_i32_3 = arith.constant 0 : i32
    return %c0_i32, %min3A_2 : i32, i32
  }
  func.func @transform_2(%arg0: i32) -> (i32, i32) {
    %mul3A = arith.constant 4 : i32
    %mul3A_0 = arith.muli %mul3A, %arg0 : i32
    %add3A = arith.constant 2 : i32
    %add3A_1 = arith.addi %mul3A_0, %add3A : i32
    %min3A = arith.constant 24 : i32
    %min3A_2 = arith.minsi %add3A_1, %min3A : i32
    %c0_i32 = arith.constant 0 : i32
    %c0_i32_3 = arith.constant 0 : i32
    return %c0_i32, %min3A_2 : i32, i32
  }
  func.func @transform_3(%arg0: i32) -> (i32, i32) {
    %mul3A = arith.constant 4 : i32
    %mul3A_0 = arith.muli %mul3A, %arg0 : i32
    %add3A = arith.constant 3 : i32
    %add3A_1 = arith.addi %mul3A_0, %add3A : i32
    %min3A = arith.constant 24 : i32
    %min3A_2 = arith.minsi %add3A_1, %min3A : i32
    %c0_i32 = arith.constant 0 : i32
    %c0_i32_3 = arith.constant 0 : i32
    return %c0_i32, %min3A_2 : i32, i32
  }
  func.func @transform_4(%arg0: i32) -> (i32, i32) {
    %c0_i32 = arith.constant 0 : i32
    %c0_i32_0 = arith.constant 0 : i32
    return %arg0, %c0_i32 : i32, i32
  }
}

module attributes {stable_mosaic.version = 14 : i64} {
  func.func @body(%arg0: i32, %arg1: memref<32x4096xf32, #tpu.memory_space<vmem>>, %arg2: memref<32x4096xf32, #tpu.memory_space<vmem>>, %arg3: memref<32x4096xf32, #tpu.memory_space<vmem>>, %arg4: memref<32x4096xf32, #tpu.memory_space<vmem>>, %arg5: memref<4096x128xf32, #tpu.memory_space<vmem>>) attributes {dimension_semantics = [#tpu.dimension_semantics<parallel>], iteration_bounds = array<i64: 62>, scalar_prefetch = 0 : i64, scratch_operands = 0 : i64, tpu.core_type = #tpu.core_type<tc>, window_params = [{transform_indices = @transform_0, window_bounds = array<i64: 32, 4096>}, {transform_indices = @transform_1, window_bounds = array<i64: 32, 4096>}, {transform_indices = @transform_2, window_bounds = array<i64: 32, 4096>}, {transform_indices = @transform_3, window_bounds = array<i64: 32, 4096>}, {transform_indices = @transform_4, window_bounds = array<i64: 4096, 128>}]} {
    %get3A = arith.constant 0 : index
    %get3A_0 = arith.constant 0 : index
    %get3A_1 = vector.load %arg1[%get3A, %get3A_0] : memref<32x4096xf32, #tpu.memory_space<vmem>>, vector<32x4096xf32>
    %transpose3A = tpu.transpose %get3A_1, [1, 0] : vector<32x4096xf32> -> vector<4096x32xf32>
    %swap3A = arith.constant 0 : index
    %swap3A_2 = arith.constant 0 : index
    %swap3A_3 = vector.load %arg5[%swap3A, %swap3A_2] : memref<4096x128xf32, #tpu.memory_space<vmem>>, vector<4096x32xf32>
    tpu.vector_store %arg5[%swap3A, %swap3A_2], %transpose3A {strides = array<i32>} : memref<4096x128xf32, #tpu.memory_space<vmem>>, vector<4096x32xf32>,
    %get3A_4 = arith.constant 0 : index
    %get3A_5 = arith.constant 0 : index
    %get3A_6 = vector.load %arg2[%get3A_4, %get3A_5] : memref<32x4096xf32, #tpu.memory_space<vmem>>, vector<32x4096xf32>
    %transpose3A_7 = tpu.transpose %get3A_6, [1, 0] : vector<32x4096xf32> -> vector<4096x32xf32>
    %swap3A_8 = arith.constant 0 : index
    %swap3A_9 = arith.constant 32 : index
    %swap3A_10 = vector.load %arg5[%swap3A_8, %swap3A_9] : memref<4096x128xf32, #tpu.memory_space<vmem>>, vector<4096x32xf32>
    tpu.vector_store %arg5[%swap3A_8, %swap3A_9], %transpose3A_7 {strides = array<i32>} : memref<4096x128xf32, #tpu.memory_space<vmem>>, vector<4096x32xf32>,
    %get3A_11 = arith.constant 0 : index
    %get3A_12 = arith.constant 0 : index
    %get3A_13 = vector.load %arg3[%get3A_11, %get3A_12] : memref<32x4096xf32, #tpu.memory_space<vmem>>, vector<32x4096xf32>
    %transpose3A_14 = tpu.transpose %get3A_13, [1, 0] : vector<32x4096xf32> -> vector<4096x32xf32>
    %swap3A_15 = arith.constant 0 : index
    %swap3A_16 = arith.constant 64 : index
    %swap3A_17 = vector.load %arg5[%swap3A_15, %swap3A_16] : memref<4096x128xf32, #tpu.memory_space<vmem>>, vector<4096x32xf32>
    tpu.vector_store %arg5[%swap3A_15, %swap3A_16], %transpose3A_14 {strides = array<i32>} : memref<4096x128xf32, #tpu.memory_space<vmem>>, vector<4096x32xf32>,
    %get3A_18 = arith.constant 0 : index
    %get3A_19 = arith.constant 0 : index
    %get3A_20 = vector.load %arg4[%get3A_18, %get3A_19] : memref<32x4096xf32, #tpu.memory_space<vmem>>, vector<32x4096xf32>
    %transpose3A_21 = tpu.transpose %get3A_20, [1, 0] : vector<32x4096xf32> -> vector<4096x32xf32>
    %swap3A_22 = arith.constant 0 : index
    %swap3A_23 = arith.constant 96 : index
    %swap3A_24 = vector.load %arg5[%swap3A_22, %swap3A_23] : memref<4096x128xf32, #tpu.memory_space<vmem>>, vector<4096x32xf32>
    tpu.vector_store %arg5[%swap3A_22, %swap3A_23], %transpose3A_21 {strides = array<i32>} : memref<4096x128xf32, #tpu.memory_space<vmem>>, vector<4096x32xf32>,
    return
  }
  func.func @transform_0(%arg0: i32) -> (i32, i32) {
    %mul3A = arith.constant 4 : i32
    %mul3A_0 = arith.muli %mul3A, %arg0 : i32
    %add3A = arith.constant 0 : i32
    %add3A_1 = arith.addi %mul3A_0, %add3A : i32
    %min3A = arith.constant 244 : i32
    %min3A_2 = arith.minsi %add3A_1, %min3A : i32
    %c0_i32 = arith.constant 0 : i32
    %c0_i32_3 = arith.constant 0 : i32
    return %c0_i32, %min3A_2 : i32, i32
  }
  func.func @transform_1(%arg0: i32) -> (i32, i32) {
    %mul3A = arith.constant 4 : i32
    %mul3A_0 = arith.muli %mul3A, %arg0 : i32
    %add3A = arith.constant 1 : i32
    %add3A_1 = arith.addi %mul3A_0, %add3A : i32
    %min3A = arith.constant 244 : i32
    %min3A_2 = arith.minsi %add3A_1, %min3A : i32
    %c0_i32 = arith.constant 0 : i32
    %c0_i32_3 = arith.constant 0 : i32
    return %c0_i32, %min3A_2 : i32, i32
  }
  func.func @transform_2(%arg0: i32) -> (i32, i32) {
    %mul3A = arith.constant 4 : i32
    %mul3A_0 = arith.muli %mul3A, %arg0 : i32
    %add3A = arith.constant 2 : i32
    %add3A_1 = arith.addi %mul3A_0, %add3A : i32
    %min3A = arith.constant 244 : i32
    %min3A_2 = arith.minsi %add3A_1, %min3A : i32
    %c0_i32 = arith.constant 0 : i32
    %c0_i32_3 = arith.constant 0 : i32
    return %c0_i32, %min3A_2 : i32, i32
  }
  func.func @transform_3(%arg0: i32) -> (i32, i32) {
    %mul3A = arith.constant 4 : i32
    %mul3A_0 = arith.muli %mul3A, %arg0 : i32
    %add3A = arith.constant 3 : i32
    %add3A_1 = arith.addi %mul3A_0, %add3A : i32
    %min3A = arith.constant 244 : i32
    %min3A_2 = arith.minsi %add3A_1, %min3A : i32
    %c0_i32 = arith.constant 0 : i32
    %c0_i32_3 = arith.constant 0 : i32
    return %c0_i32, %min3A_2 : i32, i32
  }
  func.func @transform_4(%arg0: i32) -> (i32, i32) {
    %c0_i32 = arith.constant 0 : i32
    %c0_i32_0 = arith.constant 0 : i32
    return %arg0, %c0_i32 : i32, i32
  }
}

module attributes {stable_mosaic.version = 14 : i64} {
  func.func @body(%arg0: i32, %arg1: memref<2048x128xf32, #tpu.memory_space<vmem>>, %arg2: memref<2048x128xf32, #tpu.memory_space<vmem>>, %arg3: memref<2048x128xf32, #tpu.memory_space<vmem>>, %arg4: memref<2048x128xf32, #tpu.memory_space<vmem>>, %arg5: memref<2048x1xf32, #tpu.memory_space<vmem>>, %arg6: memref<2048x1xf32, #tpu.memory_space<vmem>>, %arg7: memref<64x64xf32, #tpu.memory_space<vmem>>, %arg8: memref<1x64xf32, #tpu.memory_space<vmem>>, %arg9: memref<1x64xf32, #tpu.memory_space<vmem>>, %arg10: memref<1x64xf32, #tpu.memory_space<vmem>>, %arg11: memref<64x32xf32, #tpu.memory_space<vmem>>, %arg12: memref<1x32xf32, #tpu.memory_space<vmem>>, %arg13: memref<1x32xf32, #tpu.memory_space<vmem>>, %arg14: memref<1x32xf32, #tpu.memory_space<vmem>>, %arg15: memref<32x16xf32, #tpu.memory_space<vmem>>, %arg16: memref<1x16xf32, #tpu.memory_space<vmem>>, %arg17: memref<1x16xf32, #tpu.memory_space<vmem>>, %arg18: memref<1x16xf32, #tpu.memory_space<vmem>>, %arg19: memref<1x48xf32, #tpu.memory_space<vmem>>, %arg20: memref<1x1xf32, #tpu.memory_space<vmem>>, %arg21: memref<2048x1xf32, #tpu.memory_space<vmem>>) attributes {dimension_semantics = [#tpu.dimension_semantics<arbitrary>], iteration_bounds = array<i64: 8>, scalar_prefetch = 0 : i64, scratch_operands = 0 : i64, tpu.core_type = #tpu.core_type<tc>, window_params = [{transform_indices = @transform_0, window_bounds = array<i64: 2048, 128>}, {transform_indices = @transform_1, window_bounds = array<i64: 2048, 128>}, {transform_indices = @transform_2, window_bounds = array<i64: 2048, 128>}, {transform_indices = @transform_3, window_bounds = array<i64: 2048, 128>}, {transform_indices = @transform_4, window_bounds = array<i64: 2048, 1>}, {transform_indices = @transform_5, window_bounds = array<i64: 2048, 1>}, {pipeline_mode = #tpu.pipeline_mode<synchronous>, transform_indices = @transform_6, window_bounds = array<i64: 64, 64>}, {pipeline_mode = #tpu.pipeline_mode<synchronous>, transform_indices = @transform_7, window_bounds = array<i64: 1, 64>}, {pipeline_mode = #tpu.pipeline_mode<synchronous>, transform_indices = @transform_8, window_bounds = array<i64: 1, 64>}, {pipeline_mode = #tpu.pipeline_mode<synchronous>, transform_indices = @transform_9, window_bounds = array<i64: 1, 64>}, {pipeline_mode = #tpu.pipeline_mode<synchronous>, transform_indices = @transform_10, window_bounds = array<i64: 64, 32>}, {pipeline_mode = #tpu.pipeline_mode<synchronous>, transform_indices = @transform_11, window_bounds = array<i64: 1, 32>}, {pipeline_mode = #tpu.pipeline_mode<synchronous>, transform_indices = @transform_12, window_bounds = array<i64: 1, 32>}, {pipeline_mode = #tpu.pipeline_mode<synchronous>, transform_indices = @transform_13, window_bounds = array<i64: 1, 32>}, {pipeline_mode = #tpu.pipeline_mode<synchronous>, transform_indices = @transform_14, window_bounds = array<i64: 32, 16>}, {pipeline_mode = #tpu.pipeline_mode<synchronous>, transform_indices = @transform_15, window_bounds = array<i64: 1, 16>}, {pipeline_mode = #tpu.pipeline_mode<synchronous>, transform_indices = @transform_16, window_bounds = array<i64: 1, 16>}, {pipeline_mode = #tpu.pipeline_mode<synchronous>, transform_indices = @transform_17, window_bounds = array<i64: 1, 16>}, {pipeline_mode = #tpu.pipeline_mode<synchronous>, transform_indices = @transform_18, window_bounds = array<i64: 1, 48>}, {pipeline_mode = #tpu.pipeline_mode<synchronous>, transform_indices = @transform_19, window_bounds = array<i64: 1, 1>}, {transform_indices = @transform_20, window_bounds = array<i64: 2048, 1>}]} {
    %iota3A = tpu.iota {dimensions = array<i32: 1>} : vector<2048x128xi32>
    %jit3A = arith.constant 32 : i32
    %div3A = vector.broadcast %jit3A : i32 to vector<2048x128xi32>
    %div3A_0 = arith.divsi %iota3A, %div3A : vector<2048x128xi32>
    %sign3A = arith.constant 0 : i32
    %sign3A_1 = vector.broadcast %sign3A : i32 to vector<2048x128xi32>
    %sign3A_2 = arith.cmpi sgt, %iota3A, %sign3A_1 : vector<2048x128xi32>
    %sign3A_3 = arith.extui %sign3A_2 : vector<2048x128xi1> to vector<2048x128xi32>
    %sign3A_4 = arith.constant 0 : i32
    %sign3A_5 = vector.broadcast %sign3A_4 : i32 to vector<2048x128xi32>
    %sign3A_6 = arith.cmpi slt, %iota3A, %sign3A_5 : vector<2048x128xi32>
    %sign3A_7 = arith.extui %sign3A_6 : vector<2048x128xi1> to vector<2048x128xi32>
    %sign3A_8 = arith.subi %sign3A_3, %sign3A_7 : vector<2048x128xi32>
    %sign3A_9 = arith.constant 0 : i32
    %sign3A_10 = arith.cmpi sgt, %jit3A, %sign3A_9 : i32
    %sign3A_11 = arith.extui %sign3A_10 : i1 to i32
    %sign3A_12 = arith.constant 0 : i32
    %sign3A_13 = arith.cmpi slt, %jit3A, %sign3A_12 : i32
    %sign3A_14 = arith.extui %sign3A_13 : i1 to i32
    %sign3A_15 = arith.subi %sign3A_11, %sign3A_14 : i32
    %ne3A = vector.broadcast %sign3A_15 : i32 to vector<2048x128xi32>
    %ne3A_16 = arith.cmpi ne, %sign3A_8, %ne3A : vector<2048x128xi32>
    %rem3A = vector.broadcast %jit3A : i32 to vector<2048x128xi32>
    %rem3A_17 = arith.remsi %iota3A, %rem3A : vector<2048x128xi32>
    %ne3A_18 = arith.constant 0 : i32
    %ne3A_19 = vector.broadcast %ne3A_18 : i32 to vector<2048x128xi32>
    %ne3A_20 = arith.cmpi ne, %rem3A_17, %ne3A_19 : vector<2048x128xi32>
    %and3A = arith.andi %ne3A_16, %ne3A_20 : vector<2048x128xi1>
    %sub3A = arith.constant 1 : i32
    %sub3A_21 = vector.broadcast %sub3A : i32 to vector<2048x128xi32>
    %sub3A_22 = arith.subi %div3A_0, %sub3A_21 : vector<2048x128xi32>
    %select_n3A = arith.select %and3A, %sub3A_22, %div3A_0 : vector<2048x128xi1>, vector<2048x128xi32>
    %convert_element_type3A = arith.sitofp %select_n3A : vector<2048x128xi32> to vector<2048x128xf32>
    %get3A = arith.constant 0 : index
    %get3A_23 = arith.constant 0 : index
    %get3A_24 = vector.load %arg5[%get3A, %get3A_23] : memref<2048x1xf32, #tpu.memory_space<vmem>>, vector<2048x1xf32>
    %eq3A = vector.broadcast %get3A_24 : vector<2048x1xf32> to vector<2048x128xf32>
    %eq3A_25 = arith.cmpf oeq, %convert_element_type3A, %eq3A : vector<2048x128xf32>
    %convert_element_type3A_26 = arith.extui %eq3A_25 : vector<2048x128xi1> to vector<2048x128xi32>
    %convert_element_type3A_27 = arith.sitofp %convert_element_type3A_26 : vector<2048x128xi32> to vector<2048x128xf32>
    %get3A_28 = arith.constant 0 : index
    %get3A_29 = arith.constant 0 : index
    %get3A_30 = vector.load %arg6[%get3A_28, %get3A_29] : memref<2048x1xf32, #tpu.memory_space<vmem>>, vector<2048x1xf32>
    %eq3A_31 = vector.broadcast %get3A_30 : vector<2048x1xf32> to vector<2048x128xf32>
    %eq3A_32 = arith.cmpf oeq, %convert_element_type3A, %eq3A_31 : vector<2048x128xf32>
    %convert_element_type3A_33 = arith.extui %eq3A_32 : vector<2048x128xi1> to vector<2048x128xi32>
    %convert_element_type3A_34 = arith.sitofp %convert_element_type3A_33 : vector<2048x128xi32> to vector<2048x128xf32>
    %get3A_35 = arith.constant 0 : index
    %get3A_36 = arith.constant 0 : index
    %get3A_37 = vector.load %arg1[%get3A_35, %get3A_36] : memref<2048x128xf32, #tpu.memory_space<vmem>>, vector<2048x128xf32>
    %mul3A = arith.mulf %get3A_37, %convert_element_type3A_27 : vector<2048x128xf32>
    %slice3A = vector.extract_strided_slice %mul3A {offsets = [0, 0], sizes = [2048, 32], strides = [1, 1]} : vector<2048x128xf32> to vector<2048x32xf32>
    %slice3A_38 = vector.extract_strided_slice %mul3A {offsets = [0, 32], sizes = [2048, 32], strides = [1, 1]} : vector<2048x128xf32> to vector<2048x32xf32>
    %add3A = arith.addf %slice3A, %slice3A_38 : vector<2048x32xf32>
    %slice3A_39 = vector.extract_strided_slice %mul3A {offsets = [0, 64], sizes = [2048, 32], strides = [1, 1]} : vector<2048x128xf32> to vector<2048x32xf32>
    %add3A_40 = arith.addf %add3A, %slice3A_39 : vector<2048x32xf32>
    %slice3A_41 = vector.extract_strided_slice %mul3A {offsets = [0, 96], sizes = [2048, 32], strides = [1, 1]} : vector<2048x128xf32> to vector<2048x32xf32>
    %add3A_42 = arith.addf %add3A_40, %slice3A_41 : vector<2048x32xf32>
    %get3A_43 = arith.constant 0 : index
    %get3A_44 = arith.constant 0 : index
    %get3A_45 = vector.load %arg2[%get3A_43, %get3A_44] : memref<2048x128xf32, #tpu.memory_space<vmem>>, vector<2048x128xf32>
    %mul3A_46 = arith.mulf %get3A_45, %convert_element_type3A_34 : vector<2048x128xf32>
    %slice3A_47 = vector.extract_strided_slice %mul3A_46 {offsets = [0, 0], sizes = [2048, 32], strides = [1, 1]} : vector<2048x128xf32> to vector<2048x32xf32>
    %slice3A_48 = vector.extract_strided_slice %mul3A_46 {offsets = [0, 32], sizes = [2048, 32], strides = [1, 1]} : vector<2048x128xf32> to vector<2048x32xf32>
    %add3A_49 = arith.addf %slice3A_47, %slice3A_48 : vector<2048x32xf32>
    %slice3A_50 = vector.extract_strided_slice %mul3A_46 {offsets = [0, 64], sizes = [2048, 32], strides = [1, 1]} : vector<2048x128xf32> to vector<2048x32xf32>
    %add3A_51 = arith.addf %add3A_49, %slice3A_50 : vector<2048x32xf32>
    %slice3A_52 = vector.extract_strided_slice %mul3A_46 {offsets = [0, 96], sizes = [2048, 32], strides = [1, 1]} : vector<2048x128xf32> to vector<2048x32xf32>
    %add3A_53 = arith.addf %add3A_51, %slice3A_52 : vector<2048x32xf32>
    %get3A_54 = arith.constant 0 : index
    %get3A_55 = arith.constant 0 : index
    %get3A_56 = vector.load %arg3[%get3A_54, %get3A_55] : memref<2048x128xf32, #tpu.memory_space<vmem>>, vector<2048x128xf32>
    %mul3A_57 = arith.mulf %get3A_56, %convert_element_type3A_27 : vector<2048x128xf32>
    %slice3A_58 = vector.extract_strided_slice %mul3A_57 {offsets = [0, 0], sizes = [2048, 32], strides = [1, 1]} : vector<2048x128xf32> to vector<2048x32xf32>
    %slice3A_59 = vector.extract_strided_slice %mul3A_57 {offsets = [0, 32], sizes = [2048, 32], strides = [1, 1]} : vector<2048x128xf32> to vector<2048x32xf32>
    %add3A_60 = arith.addf %slice3A_58, %slice3A_59 : vector<2048x32xf32>
    %slice3A_61 = vector.extract_strided_slice %mul3A_57 {offsets = [0, 64], sizes = [2048, 32], strides = [1, 1]} : vector<2048x128xf32> to vector<2048x32xf32>
    %add3A_62 = arith.addf %add3A_60, %slice3A_61 : vector<2048x32xf32>
    %slice3A_63 = vector.extract_strided_slice %mul3A_57 {offsets = [0, 96], sizes = [2048, 32], strides = [1, 1]} : vector<2048x128xf32> to vector<2048x32xf32>
    %add3A_64 = arith.addf %add3A_62, %slice3A_63 : vector<2048x32xf32>
    %get3A_65 = arith.constant 0 : index
    %get3A_66 = arith.constant 0 : index
    %get3A_67 = vector.load %arg4[%get3A_65, %get3A_66] : memref<2048x128xf32, #tpu.memory_space<vmem>>, vector<2048x128xf32>
    %mul3A_68 = arith.mulf %get3A_67, %convert_element_type3A_34 : vector<2048x128xf32>
    %slice3A_69 = vector.extract_strided_slice %mul3A_68 {offsets = [0, 0], sizes = [2048, 32], strides = [1, 1]} : vector<2048x128xf32> to vector<2048x32xf32>
    %slice3A_70 = vector.extract_strided_slice %mul3A_68 {offsets = [0, 32], sizes = [2048, 32], strides = [1, 1]} : vector<2048x128xf32> to vector<2048x32xf32>
    %add3A_71 = arith.addf %slice3A_69, %slice3A_70 : vector<2048x32xf32>
    %slice3A_72 = vector.extract_strided_slice %mul3A_68 {offsets = [0, 64], sizes = [2048, 32], strides = [1, 1]} : vector<2048x128xf32> to vector<2048x32xf32>
    %add3A_73 = arith.addf %add3A_71, %slice3A_72 : vector<2048x32xf32>
    %slice3A_74 = vector.extract_strided_slice %mul3A_68 {offsets = [0, 96], sizes = [2048, 32], strides = [1, 1]} : vector<2048x128xf32> to vector<2048x32xf32>
    %add3A_75 = arith.addf %add3A_73, %slice3A_74 : vector<2048x32xf32>
    %concatenate3A = tpu.concatenate %add3A_64, %add3A_75 in 1 : vector<2048x32xf32>, vector<2048x32xf32> -> vector<2048x64xf32>
    %get3A_76 = arith.constant 0 : index
    %get3A_77 = arith.constant 0 : index
    %get3A_78 = vector.load %arg7[%get3A_76, %get3A_77] : memref<64x64xf32, #tpu.memory_space<vmem>>, vector<64x64xf32>
    %dot_general3A = arith.constant dense<0.000000e+00> : vector<2048x64xf32>
    %dot_general3A_79 = tpu.matmul %concatenate3A, %get3A_78, %dot_general3A {dimension_numbers = #tpu.dot_dimension_numbers<[1], [0], [0], [1], [0, 0, 1, 1], [], []>, transpose_lhs_hint = false} : vector<2048x64xf32>, vector<64x64xf32>, vector<2048x64xf32> -> vector<2048x64xf32>
    %get3A_80 = arith.constant 0 : index
    %get3A_81 = arith.constant 0 : index
    %get3A_82 = vector.load %arg8[%get3A_80, %get3A_81] : memref<1x64xf32, #tpu.memory_space<vmem>>, vector<1x64xf32>
    %add3A_83 = vector.broadcast %get3A_82 : vector<1x64xf32> to vector<2048x64xf32>
    %add3A_84 = arith.addf %dot_general3A_79, %add3A_83 : vector<2048x64xf32>
    %max3A = arith.constant 0.000000e+00 : f32
    %max3A_85 = vector.broadcast %max3A : f32 to vector<2048x64xf32>
    %max3A_86 = arith.maximumf %add3A_84, %max3A_85 : vector<2048x64xf32>
    %get3A_87 = arith.constant 0 : index
    %get3A_88 = arith.constant 0 : index
    %get3A_89 = vector.load %arg9[%get3A_87, %get3A_88] : memref<1x64xf32, #tpu.memory_space<vmem>>, vector<1x64xf32>
    %mul3A_90 = vector.broadcast %get3A_89 : vector<1x64xf32> to vector<2048x64xf32>
    %mul3A_91 = arith.mulf %max3A_86, %mul3A_90 : vector<2048x64xf32>
    %get3A_92 = arith.constant 0 : index
    %get3A_93 = arith.constant 0 : index
    %get3A_94 = vector.load %arg10[%get3A_92, %get3A_93] : memref<1x64xf32, #tpu.memory_space<vmem>>, vector<1x64xf32>
    %add3A_95 = vector.broadcast %get3A_94 : vector<1x64xf32> to vector<2048x64xf32>
    %add3A_96 = arith.addf %mul3A_91, %add3A_95 : vector<2048x64xf32>
    %get3A_97 = arith.constant 0 : index
    %get3A_98 = arith.constant 0 : index
    %get3A_99 = vector.load %arg11[%get3A_97, %get3A_98] : memref<64x32xf32, #tpu.memory_space<vmem>>, vector<64x32xf32>
    %dot_general3A_100 = arith.constant dense<0.000000e+00> : vector<2048x32xf32>
    %dot_general3A_101 = tpu.matmul %add3A_96, %get3A_99, %dot_general3A_100 {dimension_numbers = #tpu.dot_dimension_numbers<[1], [0], [0], [1], [0, 0, 1, 1], [], []>, transpose_lhs_hint = false} : vector<2048x64xf32>, vector<64x32xf32>, vector<2048x32xf32> -> vector<2048x32xf32>
    %get3A_102 = arith.constant 0 : index
    %get3A_103 = arith.constant 0 : index
    %get3A_104 = vector.load %arg12[%get3A_102, %get3A_103] : memref<1x32xf32, #tpu.memory_space<vmem>>, vector<1x32xf32>
    %add3A_105 = vector.broadcast %get3A_104 : vector<1x32xf32> to vector<2048x32xf32>
    %add3A_106 = arith.addf %dot_general3A_101, %add3A_105 : vector<2048x32xf32>
    %max3A_107 = arith.constant 0.000000e+00 : f32
    %max3A_108 = vector.broadcast %max3A_107 : f32 to vector<2048x32xf32>
    %max3A_109 = arith.maximumf %add3A_106, %max3A_108 : vector<2048x32xf32>
    %get3A_110 = arith.constant 0 : index
    %get3A_111 = arith.constant 0 : index
    %get3A_112 = vector.load %arg13[%get3A_110, %get3A_111] : memref<1x32xf32, #tpu.memory_space<vmem>>, vector<1x32xf32>
    %mul3A_113 = vector.broadcast %get3A_112 : vector<1x32xf32> to vector<2048x32xf32>
    %mul3A_114 = arith.mulf %max3A_109, %mul3A_113 : vector<2048x32xf32>
    %get3A_115 = arith.constant 0 : index
    %get3A_116 = arith.constant 0 : index
    %get3A_117 = vector.load %arg14[%get3A_115, %get3A_116] : memref<1x32xf32, #tpu.memory_space<vmem>>, vector<1x32xf32>
    %add3A_118 = vector.broadcast %get3A_117 : vector<1x32xf32> to vector<2048x32xf32>
    %add3A_119 = arith.addf %mul3A_114, %add3A_118 : vector<2048x32xf32>
    %get3A_120 = arith.constant 0 : index
    %get3A_121 = arith.constant 0 : index
    %get3A_122 = vector.load %arg15[%get3A_120, %get3A_121] : memref<32x16xf32, #tpu.memory_space<vmem>>, vector<32x16xf32>
    %dot_general3A_123 = arith.constant dense<0.000000e+00> : vector<2048x16xf32>
    %dot_general3A_124 = tpu.matmul %add3A_119, %get3A_122, %dot_general3A_123 {dimension_numbers = #tpu.dot_dimension_numbers<[1], [0], [0], [1], [0, 0, 1, 1], [], []>, transpose_lhs_hint = false} : vector<2048x32xf32>, vector<32x16xf32>, vector<2048x16xf32> -> vector<2048x16xf32>
    %get3A_125 = arith.constant 0 : index
    %get3A_126 = arith.constant 0 : index
    %get3A_127 = vector.load %arg16[%get3A_125, %get3A_126] : memref<1x16xf32, #tpu.memory_space<vmem>>, vector<1x16xf32>
    %add3A_128 = vector.broadcast %get3A_127 : vector<1x16xf32> to vector<2048x16xf32>
    %add3A_129 = arith.addf %dot_general3A_124, %add3A_128 : vector<2048x16xf32>
    %max3A_130 = arith.constant 0.000000e+00 : f32
    %max3A_131 = vector.broadcast %max3A_130 : f32 to vector<2048x16xf32>
    %max3A_132 = arith.maximumf %add3A_129, %max3A_131 : vector<2048x16xf32>
    %get3A_133 = arith.constant 0 : index
    %get3A_134 = arith.constant 0 : index
    %get3A_135 = vector.load %arg17[%get3A_133, %get3A_134] : memref<1x16xf32, #tpu.memory_space<vmem>>, vector<1x16xf32>
    %mul3A_136 = vector.broadcast %get3A_135 : vector<1x16xf32> to vector<2048x16xf32>
    %mul3A_137 = arith.mulf %max3A_132, %mul3A_136 : vector<2048x16xf32>
    %get3A_138 = arith.constant 0 : index
    %get3A_139 = arith.constant 0 : index
    %get3A_140 = vector.load %arg18[%get3A_138, %get3A_139] : memref<1x16xf32, #tpu.memory_space<vmem>>, vector<1x16xf32>
    %add3A_141 = vector.broadcast %get3A_140 : vector<1x16xf32> to vector<2048x16xf32>
    %add3A_142 = arith.addf %mul3A_137, %add3A_141 : vector<2048x16xf32>
    %mul3A_143 = arith.mulf %add3A_42, %add3A_53 : vector<2048x32xf32>
    %get3A_144 = arith.constant 0 : index
    %get3A_145 = arith.constant 0 : index
    %get3A_146 = vector.load %arg19[%get3A_144, %get3A_145] : memref<1x48xf32, #tpu.memory_space<vmem>>, vector<1x48xf32>
    %slice3A_147 = vector.extract_strided_slice %get3A_146 {offsets = [0, 0], sizes = [1, 32], strides = [1, 1]} : vector<1x48xf32> to vector<1x32xf32>
    %mul3A_148 = vector.broadcast %slice3A_147 : vector<1x32xf32> to vector<2048x32xf32>
    %mul3A_149 = arith.mulf %mul3A_143, %mul3A_148 : vector<2048x32xf32>
    %reduce_sum3A = arith.constant dense<0.000000e+00> : vector<2048xf32>
    %reduce_sum3A_150 = vector.multi_reduction <add>, %mul3A_149, %reduce_sum3A [1] : vector<2048x32xf32> to vector<2048xf32>
    %broadcast_in_dim3A = vector.shape_cast %reduce_sum3A_150 : vector<2048xf32> to vector<2048x1xf32>
    %slice3A_151 = vector.extract_strided_slice %get3A_146 {offsets = [0, 32], sizes = [1, 16], strides = [1, 1]} : vector<1x48xf32> to vector<1x16xf32>
    %mul3A_152 = vector.broadcast %slice3A_151 : vector<1x16xf32> to vector<2048x16xf32>
    %mul3A_153 = arith.mulf %add3A_142, %mul3A_152 : vector<2048x16xf32>
    %reduce_sum3A_154 = arith.constant dense<0.000000e+00> : vector<2048xf32>
    %reduce_sum3A_155 = vector.multi_reduction <add>, %mul3A_153, %reduce_sum3A_154 [1] : vector<2048x16xf32> to vector<2048xf32>
    %broadcast_in_dim3A_156 = vector.shape_cast %reduce_sum3A_155 : vector<2048xf32> to vector<2048x1xf32>
    %add3A_157 = arith.addf %broadcast_in_dim3A, %broadcast_in_dim3A_156 : vector<2048x1xf32>
    %get3A_158 = arith.constant 0 : index
    %get3A_159 = arith.constant 0 : index
    %get3A_160 = vector.load %arg20[%get3A_158, %get3A_159] : memref<1x1xf32, #tpu.memory_space<vmem>>, vector<1x1xf32>
    %add3A_161 = vector.broadcast %get3A_160 : vector<1x1xf32> to vector<2048x1xf32>
    %add3A_162 = arith.addf %add3A_157, %add3A_161 : vector<2048x1xf32>
    %logistic3A = arith.negf %add3A_162 : vector<2048x1xf32>
    %logistic3A_163 = math.exp %logistic3A : vector<2048x1xf32>
    %logistic3A_164 = arith.constant 1.000000e+00 : f32
    %logistic3A_165 = vector.broadcast %logistic3A_164 : f32 to vector<2048x1xf32>
    %logistic3A_166 = arith.addf %logistic3A_165, %logistic3A_163 : vector<2048x1xf32>
    %logistic3A_167 = arith.divf %logistic3A_165, %logistic3A_166 : vector<2048x1xf32>
    %swap3A = arith.constant 0 : index
    %swap3A_168 = arith.constant 0 : index
    %swap3A_169 = vector.load %arg21[%swap3A, %swap3A_168] : memref<2048x1xf32, #tpu.memory_space<vmem>>, vector<2048x1xf32>
    tpu.vector_store %arg21[%swap3A, %swap3A_168], %logistic3A_167 {strides = array<i32>} : memref<2048x1xf32, #tpu.memory_space<vmem>>, vector<2048x1xf32>,
    return
  }
  func.func @transform_0(%arg0: i32) -> (i32, i32) {
    %c0_i32 = arith.constant 0 : i32
    %c0_i32_0 = arith.constant 0 : i32
    return %arg0, %c0_i32 : i32, i32
  }
  func.func @transform_1(%arg0: i32) -> (i32, i32) {
    %c0_i32 = arith.constant 0 : i32
    %c0_i32_0 = arith.constant 0 : i32
    return %arg0, %c0_i32 : i32, i32
  }
  func.func @transform_2(%arg0: i32) -> (i32, i32) {
    %c0_i32 = arith.constant 0 : i32
    %c0_i32_0 = arith.constant 0 : i32
    return %arg0, %c0_i32 : i32, i32
  }
  func.func @transform_3(%arg0: i32) -> (i32, i32) {
    %c0_i32 = arith.constant 0 : i32
    %c0_i32_0 = arith.constant 0 : i32
    return %arg0, %c0_i32 : i32, i32
  }
  func.func @transform_4(%arg0: i32) -> (i32, i32) {
    %c0_i32 = arith.constant 0 : i32
    %c0_i32_0 = arith.constant 0 : i32
    return %arg0, %c0_i32 : i32, i32
  }
  func.func @transform_5(%arg0: i32) -> (i32, i32) {
    %c0_i32 = arith.constant 0 : i32
    %c0_i32_0 = arith.constant 0 : i32
    return %arg0, %c0_i32 : i32, i32
  }
  func.func @transform_6(%arg0: i32) -> (i32, i32) {
    %c0_i32 = arith.constant 0 : i32
    %c0_i32_0 = arith.constant 0 : i32
    %c0_i32_1 = arith.constant 0 : i32
    return %c0_i32, %c0_i32_0 : i32, i32
  }
  func.func @transform_7(%arg0: i32) -> (i32, i32) {
    %c0_i32 = arith.constant 0 : i32
    %c0_i32_0 = arith.constant 0 : i32
    %c0_i32_1 = arith.constant 0 : i32
    return %c0_i32, %c0_i32_0 : i32, i32
  }
  func.func @transform_8(%arg0: i32) -> (i32, i32) {
    %c0_i32 = arith.constant 0 : i32
    %c0_i32_0 = arith.constant 0 : i32
    %c0_i32_1 = arith.constant 0 : i32
    return %c0_i32, %c0_i32_0 : i32, i32
  }
  func.func @transform_9(%arg0: i32) -> (i32, i32) {
    %c0_i32 = arith.constant 0 : i32
    %c0_i32_0 = arith.constant 0 : i32
    %c0_i32_1 = arith.constant 0 : i32
    return %c0_i32, %c0_i32_0 : i32, i32
  }
  func.func @transform_10(%arg0: i32) -> (i32, i32) {
    %c0_i32 = arith.constant 0 : i32
    %c0_i32_0 = arith.constant 0 : i32
    %c0_i32_1 = arith.constant 0 : i32
    return %c0_i32, %c0_i32_0 : i32, i32
  }
  func.func @transform_11(%arg0: i32) -> (i32, i32) {
    %c0_i32 = arith.constant 0 : i32
    %c0_i32_0 = arith.constant 0 : i32
    %c0_i32_1 = arith.constant 0 : i32
    return %c0_i32, %c0_i32_0 : i32, i32
  }
  func.func @transform_12(%arg0: i32) -> (i32, i32) {
    %c0_i32 = arith.constant 0 : i32
    %c0_i32_0 = arith.constant 0 : i32
    %c0_i32_1 = arith.constant 0 : i32
    return %c0_i32, %c0_i32_0 : i32, i32
  }
  func.func @transform_13(%arg0: i32) -> (i32, i32) {
    %c0_i32 = arith.constant 0 : i32
    %c0_i32_0 = arith.constant 0 : i32
    %c0_i32_1 = arith.constant 0 : i32
    return %c0_i32, %c0_i32_0 : i32, i32
  }
  func.func @transform_14(%arg0: i32) -> (i32, i32) {
    %c0_i32 = arith.constant 0 : i32
    %c0_i32_0 = arith.constant 0 : i32
    %c0_i32_1 = arith.constant 0 : i32
    return %c0_i32, %c0_i32_0 : i32, i32
  }
  func.func @transform_15(%arg0: i32) -> (i32, i32) {
    %c0_i32 = arith.constant 0 : i32
    %c0_i32_0 = arith.constant 0 : i32
    %c0_i32_1 = arith.constant 0 : i32
    return %c0_i32, %c0_i32_0 : i32, i32
  }
  func.func @transform_16(%arg0: i32) -> (i32, i32) {
    %c0_i32 = arith.constant 0 : i32
    %c0_i32_0 = arith.constant 0 : i32
    %c0_i32_1 = arith.constant 0 : i32
    return %c0_i32, %c0_i32_0 : i32, i32
  }
  func.func @transform_17(%arg0: i32) -> (i32, i32) {
    %c0_i32 = arith.constant 0 : i32
    %c0_i32_0 = arith.constant 0 : i32
    %c0_i32_1 = arith.constant 0 : i32
    return %c0_i32, %c0_i32_0 : i32, i32
  }
  func.func @transform_18(%arg0: i32) -> (i32, i32) {
    %c0_i32 = arith.constant 0 : i32
    %c0_i32_0 = arith.constant 0 : i32
    %c0_i32_1 = arith.constant 0 : i32
    return %c0_i32, %c0_i32_0 : i32, i32
  }
  func.func @transform_19(%arg0: i32) -> (i32, i32) {
    %c0_i32 = arith.constant 0 : i32
    %c0_i32_0 = arith.constant 0 : i32
    %c0_i32_1 = arith.constant 0 : i32
    return %c0_i32, %c0_i32_0 : i32, i32
  }
  func.func @transform_20(%arg0: i32) -> (i32, i32) {
    %c0_i32 = arith.constant 0 : i32
    %c0_i32_0 = arith.constant 0 : i32
    return %arg0, %c0_i32 : i32, i32
  }
}

</mosaic_0001>

<sc_bundles>
// kernel: kernel.8.cloned.1.call-start
scs
__scs_entry_jumppad:
0x0: {  	(pc) =	sbr.rel $0x88, $3  }
0x1: {  	(tag) =	ssettag $0x0;
	lr =	simm.s32 $0x1  }
0x2: {  	[smem:$0x3F8D] =	sst lr;
	_ =	strace $0xD0000000  }
0x3: {  	_ = 	snop  }
0x4: {  	_ = 	snop  }
0x5: {  	_ = 	snop  }
0x6: {  	_ = 	snop  }
0x7: {  	_ = 	snop  }
__scs_overlays_trampoline_lowered:
0x8: {  	[smem:$0x3F9C] =	sst s0  }
0x9: {  	[smem:$0x3F9D] =	sst s1  }
0xa: {  	[smem:$0x3F9E] =	sst s2  }
0xb: {  	[smem:$0x3F9F] =	sst s3  }
0xc: {  	[smem:$0x3FA0] =	sst s4  }
0xd: {  	[smem:$0x3FA1] =	sst s5  }
0xe: {  	[smem:$0x3FA2] =	sst s6  }
0xf: {  	[smem:$0x3FA3] =	sst s7  }
0x10: {  	[smem:$0x3FA4] =	sst s8  }
0x11: {  	[smem:$0x3FA5] =	sst s9;
	s0 =	simm.s32 @!p0 $0x0  }
0x12: {  	s1 =	sld [smem:$0x3F8B];
	s0 =	simm.s32 @p0 $0x1  }
0x13: {  	[smem:$0x3FA6] =	sst s0;
	s0 =	simm.s32 @!p1 $0x0  }
0x14: {  	s2 =	sld [smem:$0x3F8A];
	s0 =	simm.s32 @p1 $0x1  }
0x15: {  	[smem:$0x3FA7] =	sst s0;
	s0 =	simm.s32 @!p2 $0x0  }
0x16: {  	s3 =	sld [smem:$0x3FDB];
	s0 =	simm.s32 @p2 $0x1  }
0x17: {  	s4 =	simm.s32 $0x1BF5;
	[smem:$0x3FA9] =	sst s0  }
0x18: {  	s0 =	sld [smem:$0x3F8C];
	_ =	swait.ge [sflag:s4], $0x0  }
0x19: {  	s7 =	sld [smem:$0x3F8D]  }
0x1a: {  	s8 =	sadd.s32 $0xFFFFE003, lr  }
0x1b: {  	s9 =	sadd.s32 $0xFFFFFEF7, lr;
	s5 =	simm.s32 $0xFFFFFFFF;
	p2 =	slt.u32 s8, $0xFFFFF086  }
0x1c: {  	p1 =	slt.u32 s9, $0xF7A;
	s5 =	simm.s32 @!p2 $0x0  }
0x1d: {  	s5 =	simm.s32 @p1 $0x1;
	p0 =	seq.s32 s7, s2  }
0x1e: {  	s7 =	smul.u32 @!p0 $0xF7A, s2;
	p2 =	seq.s32 @!p0 s5, $0x0  }
0x1f: {  	s9 =	smul.u32 $0xF7A, s1;
	s8 =	simm.s32 @!p0 $0x1BF5;
	p2 =	por !p2, p0  }
0x20: {  	[sflag:s8] =	ssyncset.s32 @!p0 $0xFFFFF086;
	s6 =	sadd.s32 @!p0 s3, s7;
	s7 =	simm.s32 @!p0 $0x108  }
0x21: {  	s3 =	sadd.s32 s3, s9;
	s6 =	sadd.s32 @!p0 $0x88, s6;
	s7 =	simm.s32 @p2 $0x1082  }
0x22: {  	[simem:s7], [sflag:s8] =	dma.local @!p0 [hbm:s6], $0xF7A  }
0x23: {  	s9 =	sor.u32 $0xD0000000, s2;
	s6 =	simm.s32 $0x108;
	_ =	swait.ge @!p0 [sflag:s8], $0x0  }
0x24: {  	s3 =	sadd.s32 $0x88, s3;
	s6 =	simm.s32 @!p1 $0x1082;
	[sflag:s4] =	ssyncset.s32 $0xFFFFF086  }
0x25: {  	[simem:s6], [sflag:s4] =	dma.local [hbm:s3], $0xF7A  }
0x26: {  	[smem:$0x3F8D] =	sst s1;
	(tag) =	ssettag s2;
	_ =	strace s9  }
0x27: {  	s1 =	sld [smem:$0x3F9D]  }
0x28: {  	s2 =	sld [smem:$0x3F9E]  }
0x29: {  	s4 =	sld [smem:$0x3FA0]  }
0x2a: {  	p0 =	seq.s32 s5, $0x0;
	s5 =	sld [smem:$0x3FA1]  }
0x2b: {  	s6 =	sld [smem:$0x3FA2]  }
0x2c: {  	s7 =	sld [smem:$0x3FA3]  }
0x2d: {  	s3 =	simm.s32 $0x108;
	s8 =	sld [smem:$0x3FA4]  }
0x2e: {  	s3 =	simm.s32 @!p0 $0x1082;
	s9 =	sld [smem:$0x3FA5]  }
0x2f: {  	lr =	sadd.s32 s0, s3;
	s0 =	sld [smem:$0x3F9C]  }
0x30: {  	s3 =	sld [smem:$0x3F9F]  }
0x31: {  	[smem:$0x3FA8] =	sst s10  }
0x32: {  	s10 =	sld [smem:$0x3FA6];
	_ =	sdelay $0x3  }
0x33: {  	p0 =	seq.s32 s10, $0x1;
	s10 =	sld [smem:$0x3FA8];
	_ =	sdelay $0x3  }
0x34: {  	[smem:$0x3FA8] =	sst s10  }
0x35: {  	s10 =	sld [smem:$0x3FA7];
	_ =	sdelay $0x3  }
0x36: {  	p1 =	seq.s32 s10, $0x1;
	s10 =	sld [smem:$0x3FA8];
	_ =	sdelay $0x3  }
0x37: {  	[smem:$0x3FA8] =	sst s10  }
0x38: {  	s10 =	sld [smem:$0x3FA9]  }
0x39: {  	_ = 	snop;
	(pc) =	sbr.ind lr, $3  }
0x3a: {  	_ = 	snop  }
0x3b: {  	_ = 	snop  }
0x3c: {  	p2 =	seq.s32 s10, $0x1;
	s10 =	sld [smem:$0x3FA8]  }
0x3d: {  	_ =	shalt  }
0x3e: {  	_ =	shalt  }
0x3f: {  	_ =	shalt  }
0x40: {  	_ =	shalt  }
0x41: {  	_ =	shalt  }
0x42: {  	_ =	shalt  }
0x43: {  	_ =	shalt  }
0x44: {  	_ =	shalt  }
0x45: {  	_ =	shalt  }
0x46: {  	_ =	shalt  }
0x47: {  	_ =	shalt  }
0x48: {  	_ =	shalt  }
0x49: {  	_ =	shalt  }
0x4a: {  	_ =	shalt  }
0x4b: {  	_ =	shalt  }
0x4c: {  	_ =	shalt  }
0x4d: {  	_ =	shalt  }
0x4e: {  	_ =	shalt  }
0x4f: {  	_ =	shalt  }
0x50: {  	_ =	shalt  }
0x51: {  	_ =	shalt  }
0x52: {  	_ =	shalt  }
0x53: {  	_ =	shalt  }
0x54: {  	_ =	shalt  }
0x55: {  	_ =	shalt  }
0x56: {  	_ =	shalt  }
0x57: {  	_ =	shalt  }
0x58: {  	_ =	shalt  }
0x59: {  	_ =	shalt  }
0x5a: {  	_ =	shalt  }
0x5b: {  	_ =	shalt  }
0x5c: {  	_ =	shalt  }
0x5d: {  	_ =	shalt  }
0x5e: {  	_ =	shalt  }
0x5f: {  	_ =	shalt  }
0x60: {  	_ =	shalt  }
0x61: {  	_ =	shalt  }
0x62: {  	_ =	shalt  }
0x63: {  	_ =	shalt  }
0x64: {  	_ =	shalt  }
0x65: {  	_ =	shalt  }
0x66: {  	_ =	shalt  }
0x67: {  	_ =	shalt  }
0x68: {  	_ =	shalt  }
0x69: {  	_ =	shalt  }
0x6a: {  	_ =	shalt  }
0x6b: {  	_ =	shalt  }
0x6c: {  	_ =	shalt  }
0x6d: {  	_ =	shalt  }
0x6e: {  	_ =	shalt  }
0x6f: {  	_ =	shalt  }
0x70: {  	_ =	shalt  }
0x71: {  	_ =	shalt  }
0x72: {  	_ =	shalt  }
0x73: {  	_ =	shalt  }
0x74: {  	_ =	shalt  }
0x75: {  	_ =	shalt  }
0x76: {  	_ =	shalt  }
0x77: {  	_ =	shalt  }
0x78: {  	_ =	shalt  }
0x79: {  	_ =	shalt  }
0x7a: {  	_ =	shalt  }
0x7b: {  	_ =	shalt  }
0x7c: {  	_ =	shalt  }
0x7d: {  	_ =	shalt  }
0x7e: {  	_ =	shalt  }
0x7f: {  	_ =	shalt  }
0x80: {  	_ =	shalt  }
0x81: {  	_ =	shalt  }
0x82: {  	_ =	shalt  }
0x83: {  	_ =	shalt  }
0x84: {  	_ =	shalt  }
0x85: {  	_ =	shalt  }
0x86: {  	_ =	shalt  }
0x87: {  	_ =	shalt  }
.Lfunc_end0:
.L_simem_size_0:
called_computation_lowered:
.L_overlay_start_0:
0x88: {  	s2 =	sld [smem:$0x3FD9]  }
0x89: {  	s3 =	sld [smem:$0x3FFE];
	_ =	sdelay $0x1  }
0x8a: {  	s1 =	srdreg.scid  }
0x8b: {  	s0 =	sand.u32 $0x1, s1  }
0x8c: {  	s16 =	sshll.u32 s0, $0xA;
	s2 =	sadd.s32 s3, s2  }
0x8d: {  	s2 =	sadd.s32 s2, s16  }
0x8e: {  	[smem:$0x3FB4] =	sst s2  }
0x8f: {  	_ = 	snop  }
0x90: {  	(tm) =	ssettm $0x1  }
0x91: {  	s17 =	sld [smem:$0x3FFB];
	_ =	sdelay $0x3  }
0x92: {  	_ =	strace s17  }
0x93: {  	s2 =	sld [smem:$0x3FFC];
	_ =	sdelay $0x3  }
0x94: {  	_ =	strace s2  }
0x95: {  	s2 =	sld [smem:$0x3FFD];
	_ =	sdelay $0x3  }
0x96: {  	_ =	strace s2  }
0x97: {  	_ =	strace $0x8FFFFFFF  }
0x98: {  	s18 =	sld [smem:$0x3FDB];
	_ =	sdelay $0x1  }
0x99: {  	s19 =	simm.s32 $_scs_section_size  }
0x9a: {  	s4 =	simm.s32 $_size__tile_overlayer_lowered;
	s5 =	simm.s32 $_tile_overlayer_lowered  }
0x9b: {  	s22 =	simm.s32 $0x1BFF;
	s21 =	sshll.u32 s5, $0x1;
	s2 =	sadd.s32 s19, s18  }
0x9c: {  	s6 =	simm.s32 $0x0;
	s20 =	sshll.u32 s4, $0x1;
	s4 =	sadd.s32 s21, s2  }
0x9d: {  	[timem:s6], [sflag:s22] =	dma.local [hbm:s4], s20  }
0x9e: {  	_ =	swait.ge [sflag:s22], s20  }
0x9f: {  	s3 =	ssub.s32 $0x0, s20;
	[sflag:s22] =	ssyncset.done $0x0  }
0xa0: {  	[sflag:s22] =	ssyncadd.s32 s3;
	_ =	sdelay $0x1  }
0xa1: {  	s23 =	simm.s32 $0x1B8B  }
0xa2: {  	_ =	swait.ge [sflag:s23], $0x1  }
0xa3: {  	[sflag:s23] =	ssyncset.done $0x0  }
0xa4: {  	s25 =	simm.s32 $0x1B8E;
	s24 =	sld [smem:$0x3FFE];
	[sflag:s23] =	ssyncadd.s32 $0xFFFFFFFF  }
0xa5: {  	s26 =	simm.s32 $execute0_lowered;
	[smem:$0x3FD2] =	sst s25  }
0xa6: {  	s4 =	sshll.u32 s26, $0x1;
	_ =	strace $0x80000046;
	[dreg:$0x1] =	wrdreg $0xFFFFFFFF  }
0xa7: {  	s28 =	simm.s32 $_size_execute0_lowered;
	s2 =	sadd.s32 s2, s4;
	[dreg:$0x0] =	wrdreg $0x0  }
0xa8: {  	s4 =	sshll.u32 s28, $0x1;
	[dreg:$0x2] =	wrdreg s2  }
0xa9: {  	[dreg:$0x3] =	wrdreg s4  }
0xaa: {  	[dreg:$0x4] =	wrdreg $0xC0  }
0xab: {  	_ =	task [dreg:s6], $0x5FFFF  }
0xac: {  	[dreg:$0x1] =	wrdreg $0xFFFFFFFF  }
0xad: {  	[dreg:$0x0] =	wrdreg $0x60  }
0xae: {  	[dreg:$0x2] =	wrdreg s24  }
0xaf: {  	[dreg:$0x3] =	wrdreg $0x9  }
0xb0: {  	_ =	task.clear_ibuf [dreg:s6], $0x4FFFF;
	_ =	strace $0x90000046  }
0xb1: {  	s29 =	simm.s32 $0x9;
	_ =	strace $0x80000048  }
0xb2: {  	_ =	swait.ge [sflag:s29], $0x1  }
0xb3: {  	[sflag:s29] =	ssyncadd.s32 $0xFFFFFFFF  }
0xb4: {  	_ =	strace $0x90000048  }
0xb5: {  	_ =	sfence  }
0xb6: {  	s30 =	sld [smem:$0x0];
	_ =	sdelay $0x2  }
0xb7: {  	s31 =	sshll.u32 s1, $0xD;
	s1 =	sshrl.u32 s1, $0x2  }
0xb8: {  	s3 =	sand.u32 $0x4000, s31;
	s1 =	sadd.s32 s1, s30  }
0xb9: {  	s0 =	sor.u32 s3, s0;
	s1 =	sshll.u32 s1, $0x11  }
0xba: {  	s0 =	sor.u32 s1, s0  }
0xbb: {  	s0 =	sadd.s32 $0x8F2B, s0  }
0xbc: {  	[sflag:s0] =	ssyncadd.remote.s32 $0x1  }
0xbd: {  	_ =	sfence.sel $0xFFFF  }
0xbe: {  	[dreg:$0x0] =	wrdreg $0xFFFFFFFF;
	(pc) =	sbr.abs _section_cstart, $3  }
0xbf: {  	[dreg:$0x1] =	wrdreg $0xFFFFFFFF  }
0xc0: {  	_ =	task.clear_ibuf [dreg:s6], $0x2FFFF;
	_ =	strace $0x9FFFFFFF  }
0xc1: {  	(tm) =	ssettm $0x7FFFFFFF  }
tec
execute0_lowered:
.L_overlay_start_1:
0x0: {  	(tag) =	ssettag $0x1  }
0x1: {  	s0 =	rddreg [dreg:$0x0]  }
0x2: {  	s1 =	srdreg.scid;
	s3 =	stileid.u32;
	s2 =	simm.s32 $0x0  }
0x3: {  	s31 =	simm.s32 $0x200;
	s15 =	simm.s32 $0x3;
	p0 =	por $0x0, $0x0  }
0x4: {  	s30 =	simm.s32 $0x280;
	s29 =	simm.s32 $0x300;
	[smem:$0x7FF] =	sst s2  }
0x5: {  	s28 =	simm.s32 $0x100;
	s4 =	sadd.s32 $0x834400, s0;
	s9 =	sadd.s32 $0x8A4400, s0  }
0x6: {  	s1 =	sand.u32 $0x1, s1;
	s10 =	sadd.s32 $0x8E4400, s0;
	s12 =	sadd.s32 $0x924400, s0  }
0x7: {  	s3 =	sshll.u32 s3, $0x1;
	s13 =	sadd.s32 $0x964400, s0;
	s8 =	sadd.s32 $0x7C4400, s0  }
0x8: {  	s5 =	sor.u32 s1, s3;
	_ =	strace $0x80000047;
	s3 =	sadd.s32 $0x3E4400, s0  }
0x9: {  	s1 =	ssub.s32 $0x2, s1;
	s6 =	sshll.u32 s5, $0x6;
	s5 =	sshll.u32 s5, $0xD  }
0xa: {  	s23 =	sshrl.u32 s1, $0x1;
	s6 =	sadd.s32 s6, s0;
	s16 =	sadd.s32 s9, s5  }
0xb: {  	s17 =	sadd.s32 s10, s5;
	s18 =	sadd.s32 s12, s5;
	s19 =	sadd.s32 s13, s5  }
0xc: {  	s11 =	sor.u32 $0x800, s5;
	s1 =	ssub.s32 s1, s23;
	[dreg:$0x4] =	wrdreg s16  }
0xd: {  	s25 =	sor.u32 $0x1000, s5;
	s5 =	sor.u32 $0x1800, s5;
	[dreg:$0x5] =	wrdreg s17  }
0xe: {  	s7 =	sadd.s32 $0x3C00, s6;
	s6 =	sadd.s32 $0x3400, s6;
	[dreg:$0x6] =	wrdreg s18  }
0xf: {  	[dreg:$0x7] =	wrdreg s19;
	s20 =	sadd.s32 s9, s11;
	s21 =	sadd.s32 s10, s11  }
0x10: {  	s22 =	sadd.s32 s12, s11;
	s24 =	sadd.s32 s13, s11;
	s23 =	sadd.s32 s10, s25  }
0x11: {  	s19 =	sadd.s32 s13, s25;
	s14 =	sadd.s32 s9, s5;
	[dreg:$0x2] =	wrdreg s7  }
0x12: {  	s11 =	sadd.s32 s10, s5;
	s26 =	smax.u32 s1, $0x1;
	[dreg:$0x3] =	wrdreg s6  }
0x13: {  	s18 =	simm.s32 $0x400;
	s16 =	simm.s32 $0x4400;
	[dreg:$0x8] =	wrdreg s20  }
0x14: {  	s10 =	simm.s32 $0xC400;
	s17 =	simm.s32 $0x2;
	[dreg:$0x9] =	wrdreg s21  }
0x15: {  	s7 =	sadd.s32 $0x4400, s0;
	[dreg:$0xa] =	wrdreg s22;
	p1 =	sne.s32 s26, $0x1  }
.Ltmp0:
0x16: {  	[dreg:$0xb] =	wrdreg s24;
	s24 =	sadd.s32 s9, s25;
	(pc) =	sbr.rel @!p1 .LBB2_3-.Ltmp0, $4  }
0x17: {  	s22 =	sadd.s32 s12, s25;
	s9 =	sadd.s32 s12, s5;
	s6 =	sadd.s32 s13, s5  }
0x18: {  	s5 =	simm.s32 $0x5;
	s20 =	simm.s32 $0x80;
	s12 =	simm.s32 $0x8400  }
0x19: {  	s21 =	simm.s32 $0x1;
	s0 =	sadd.s32 $0xFFFFFFFF, s26;
	s13 =	simm.s32 $0x4  }
0x1a: {  	s25 =	simm.s32 $0x180;
	s26 =	simm.s32 $0x380;
	s1 =	rddreg [dreg:$0x2]  }
0x1b: {  	[tilespmem:s2], [sflag:$0x5] =	stream.linear.gather [hbm4b:s1+s2], $0x200, $0x38;
	[tilespmem:$0x10400] =	vst v63  }
0x1c: {  	_ =	swait.ge [sflag:s5], $0x200  }
0x1d: {  	[sflag:s5] =	ssyncset.done $0x0  }
0x1e: {  	s1 =	rddreg [dreg:$0x3];
	[sflag:s5] =	ssyncadd.s32 $0xFFFFFE00  }
0x1f: {  	[tilespmem:s31], [sflag:$0x5] =	stream.linear.gather [hbm4b:s1+s2], $0x200, $0x38;
	[tilespmem:$0x10400] =	vst v63  }
0x20: {  	_ =	swait.ge [sflag:s5], $0x200  }
0x21: {  	[sflag:s5] =	ssyncset.done $0x0  }
0x22: {  	[sflag:s5] =	ssyncadd.s32 $0xFFFFFE00  }
0x23: {  	[tilespmem:s18], [sflag:$0x1] =	stream.indirect.gather [hbm4b:s3+s20], $0x80, s2, s20, $0xb8;
	[tilespmem:$0x10400] =	vst v63  }
0x24: {  	_ = 	snop  }
0x25: {  	[tilespmem:s16], [sflag:$0x2] =	stream.indirect.gather [hbm4b:s4+s20], $0x80, s31, s20, $0xb8;
	[tilespmem:$0x10400] =	vst v63  }
0x26: {  	_ = 	snop  }
0x27: {  	[tilespmem:s12], [sflag:$0x3] =	stream.indirect.gather [hbm4b:s7+s20], $0x80, s2, s20, $0xb8;
	[tilespmem:$0x10400] =	vst v63  }
0x28: {  	_ = 	snop  }
0x29: {  	[tilespmem:s10], [sflag:$0x4] =	stream.indirect.gather [hbm4b:s8+s20], $0x80, s31, s20, $0xb8;
	[tilespmem:$0x10400] =	vst v63  }
0x2a: {  	_ =	swait.ge [sflag:s21], $0x4000  }
0x2b: {  	[sflag:s21] =	ssyncset.done $0x0  }
0x2c: {  	s1 =	rddreg [dreg:$0x4];
	[sflag:s21] =	ssyncadd.s32 $0xFFFFC000  }
0x2d: {  	[hbm4b:s1+s2] =	stream.linear.scatter [tilespmem:s18], [sflag:$0x5], $0x4000, $0x38;
	[tilespmem:$0x10400] =	vst v63  }
0x2e: {  	_ =	swait.ge [sflag:s5], $0x4000  }
0x2f: {  	[sflag:s5] =	ssyncset.done $0x0  }
0x30: {  	[sflag:s5] =	ssyncadd.s32 $0xFFFFC000  }
0x31: {  	_ =	swait.ge [sflag:s17], $0x4000  }
0x32: {  	[sflag:s17] =	ssyncset.done $0x0  }
0x33: {  	s1 =	rddreg [dreg:$0x5];
	[sflag:s17] =	ssyncadd.s32 $0xFFFFC000  }
0x34: {  	[hbm4b:s1+s2] =	stream.linear.scatter [tilespmem:s16], [sflag:$0x5], $0x4000, $0x38;
	[tilespmem:$0x10400] =	vst v63  }
0x35: {  	_ =	swait.ge [sflag:s5], $0x4000  }
0x36: {  	[sflag:s5] =	ssyncset.done $0x0  }
0x37: {  	[sflag:s5] =	ssyncadd.s32 $0xFFFFC000  }
0x38: {  	_ =	swait.ge [sflag:s15], $0x4000  }
0x39: {  	[sflag:s15] =	ssyncset.done $0x0  }
0x3a: {  	s1 =	rddreg [dreg:$0x6];
	[sflag:s15] =	ssyncadd.s32 $0xFFFFC000  }
0x3b: {  	[hbm4b:s1+s2] =	stream.linear.scatter [tilespmem:s12], [sflag:$0x5], $0x4000, $0x38;
	[tilespmem:$0x10400] =	vst v63  }
0x3c: {  	_ =	swait.ge [sflag:s5], $0x4000  }
0x3d: {  	[sflag:s5] =	ssyncset.done $0x0  }
0x3e: {  	[sflag:s5] =	ssyncadd.s32 $0xFFFFC000  }
0x3f: {  	_ =	swait.ge [sflag:s13], $0x4000  }
0x40: {  	[sflag:s13] =	ssyncset.done $0x0  }
0x41: {  	s1 =	rddreg [dreg:$0x7];
	[sflag:s13] =	ssyncadd.s32 $0xFFFFC000  }
0x42: {  	[hbm4b:s1+s2] =	stream.linear.scatter [tilespmem:s10], [sflag:$0x5], $0x4000, $0x38;
	[tilespmem:$0x10400] =	vst v63  }
0x43: {  	_ =	swait.ge [sflag:s5], $0x4000  }
0x44: {  	[sflag:s5] =	ssyncset.done $0x0  }
0x45: {  	[sflag:s5] =	ssyncadd.s32 $0xFFFFC000  }
0x46: {  	[tilespmem:s18], [sflag:$0x1] =	stream.indirect.gather [hbm4b:s3+s20], $0x80, s20, s20, $0xb8;
	[tilespmem:$0x10400] =	vst v63  }
0x47: {  	_ = 	snop  }
0x48: {  	[tilespmem:s16], [sflag:$0x2] =	stream.indirect.gather [hbm4b:s4+s20], $0x80, s30, s20, $0xb8;
	[tilespmem:$0x10400] =	vst v63  }
0x49: {  	_ = 	snop  }
0x4a: {  	[tilespmem:s12], [sflag:$0x3] =	stream.indirect.gather [hbm4b:s7+s20], $0x80, s20, s20, $0xb8;
	[tilespmem:$0x10400] =	vst v63  }
0x4b: {  	_ = 	snop  }
0x4c: {  	[tilespmem:s10], [sflag:$0x4] =	stream.indirect.gather [hbm4b:s8+s20], $0x80, s30, s20, $0xb8;
	[tilespmem:$0x10400] =	vst v63  }
0x4d: {  	_ =	swait.ge [sflag:s21], $0x4000  }
0x4e: {  	[sflag:s21] =	ssyncset.done $0x0  }
0x4f: {  	s1 =	rddreg [dreg:$0x8];
	[sflag:s21] =	ssyncadd.s32 $0xFFFFC000  }
0x50: {  	[hbm4b:s1+s2] =	stream.linear.scatter [tilespmem:s18], [sflag:$0x5], $0x4000, $0x38;
	[tilespmem:$0x10400] =	vst v63  }
0x51: {  	_ =	swait.ge [sflag:s5], $0x4000  }
0x52: {  	[sflag:s5] =	ssyncset.done $0x0  }
0x53: {  	[sflag:s5] =	ssyncadd.s32 $0xFFFFC000  }
0x54: {  	_ =	swait.ge [sflag:s17], $0x4000  }
0x55: {  	[sflag:s17] =	ssyncset.done $0x0  }
0x56: {  	s1 =	rddreg [dreg:$0x9];
	[sflag:s17] =	ssyncadd.s32 $0xFFFFC000  }
0x57: {  	[hbm4b:s1+s2] =	stream.linear.scatter [tilespmem:s16], [sflag:$0x5], $0x4000, $0x38;
	[tilespmem:$0x10400] =	vst v63  }
0x58: {  	_ =	swait.ge [sflag:s5], $0x4000  }
0x59: {  	[sflag:s5] =	ssyncset.done $0x0  }
0x5a: {  	[sflag:s5] =	ssyncadd.s32 $0xFFFFC000  }
0x5b: {  	_ =	swait.ge [sflag:s15], $0x4000  }
0x5c: {  	[sflag:s15] =	ssyncset.done $0x0  }
0x5d: {  	s1 =	rddreg [dreg:$0xa];
	[sflag:s15] =	ssyncadd.s32 $0xFFFFC000  }
0x5e: {  	[hbm4b:s1+s2] =	stream.linear.scatter [tilespmem:s12], [sflag:$0x5], $0x4000, $0x38;
	[tilespmem:$0x10400] =	vst v63  }
0x5f: {  	_ =	swait.ge [sflag:s5], $0x4000  }
0x60: {  	[sflag:s5] =	ssyncset.done $0x0  }
0x61: {  	[sflag:s5] =	ssyncadd.s32 $0xFFFFC000  }
0x62: {  	_ =	swait.ge [sflag:s13], $0x4000  }
0x63: {  	[sflag:s13] =	ssyncset.done $0x0  }
0x64: {  	s1 =	rddreg [dreg:$0xb];
	[sflag:s13] =	ssyncadd.s32 $0xFFFFC000  }
0x65: {  	[hbm4b:s1+s2] =	stream.linear.scatter [tilespmem:s10], [sflag:$0x5], $0x4000, $0x38;
	[tilespmem:$0x10400] =	vst v63  }
0x66: {  	_ =	swait.ge [sflag:s5], $0x4000  }
0x67: {  	[sflag:s5] =	ssyncset.done $0x0  }
0x68: {  	[sflag:s5] =	ssyncadd.s32 $0xFFFFC000  }
0x69: {  	[tilespmem:s18], [sflag:$0x1] =	stream.indirect.gather [hbm4b:s3+s20], $0x80, s28, s20, $0xb8;
	[tilespmem:$0x10400] =	vst v63  }
0x6a: {  	_ = 	snop  }
0x6b: {  	[tilespmem:s16], [sflag:$0x2] =	stream.indirect.gather [hbm4b:s4+s20], $0x80, s29, s20, $0xb8;
	[tilespmem:$0x10400] =	vst v63  }
0x6c: {  	_ = 	snop  }
0x6d: {  	[tilespmem:s12], [sflag:$0x3] =	stream.indirect.gather [hbm4b:s7+s20], $0x80, s28, s20, $0xb8;
	[tilespmem:$0x10400] =	vst v63  }
0x6e: {  	_ = 	snop  }
0x6f: {  	[tilespmem:s10], [sflag:$0x4] =	stream.indirect.gather [hbm4b:s8+s20], $0x80, s29, s20, $0xb8;
	[tilespmem:$0x10400] =	vst v63  }
0x70: {  	_ =	swait.ge [sflag:s21], $0x4000  }
0x71: {  	[sflag:s21] =	ssyncset.done $0x0  }
0x72: {  	[sflag:s21] =	ssyncadd.s32 $0xFFFFC000  }
0x73: {  	[hbm4b:s24+s2] =	stream.linear.scatter [tilespmem:s18], [sflag:$0x5], $0x4000, $0x38;
	[tilespmem:$0x10400] =	vst v63  }
0x74: {  	_ =	swait.ge [sflag:s5], $0x4000  }
0x75: {  	[sflag:s5] =	ssyncset.done $0x0  }
0x76: {  	[sflag:s5] =	ssyncadd.s32 $0xFFFFC000  }
0x77: {  	_ =	swait.ge [sflag:s17], $0x4000  }
0x78: {  	[sflag:s17] =	ssyncset.done $0x0  }
0x79: {  	[sflag:s17] =	ssyncadd.s32 $0xFFFFC000  }
0x7a: {  	[hbm4b:s23+s2] =	stream.linear.scatter [tilespmem:s16], [sflag:$0x5], $0x4000, $0x38;
	[tilespmem:$0x10400] =	vst v63  }
0x7b: {  	_ =	swait.ge [sflag:s5], $0x4000  }
0x7c: {  	[sflag:s5] =	ssyncset.done $0x0  }
0x7d: {  	[sflag:s5] =	ssyncadd.s32 $0xFFFFC000  }
0x7e: {  	_ =	swait.ge [sflag:s15], $0x4000  }
0x7f: {  	[sflag:s15] =	ssyncset.done $0x0  }
0x80: {  	[sflag:s15] =	ssyncadd.s32 $0xFFFFC000  }
0x81: {  	[hbm4b:s22+s2] =	stream.linear.scatter [tilespmem:s12], [sflag:$0x5], $0x4000, $0x38;
	[tilespmem:$0x10400] =	vst v63  }
0x82: {  	_ =	swait.ge [sflag:s5], $0x4000  }
0x83: {  	[sflag:s5] =	ssyncset.done $0x0  }
0x84: {  	[sflag:s5] =	ssyncadd.s32 $0xFFFFC000  }
0x85: {  	_ =	swait.ge [sflag:s13], $0x4000  }
0x86: {  	[sflag:s13] =	ssyncset.done $0x0  }
0x87: {  	[sflag:s13] =	ssyncadd.s32 $0xFFFFC000  }
0x88: {  	[hbm4b:s19+s2] =	stream.linear.scatter [tilespmem:s10], [sflag:$0x5], $0x4000, $0x38;
	[tilespmem:$0x10400] =	vst v63  }
0x89: {  	_ =	swait.ge [sflag:s5], $0x4000  }
0x8a: {  	[sflag:s5] =	ssyncset.done $0x0  }
0x8b: {  	[sflag:s5] =	ssyncadd.s32 $0xFFFFC000  }
0x8c: {  	[tilespmem:s18], [sflag:$0x1] =	stream.indirect.gather [hbm4b:s3+s20], $0x80, s25, s20, $0xb8;
	[tilespmem:$0x10400] =	vst v63  }
0x8d: {  	_ = 	snop  }
0x8e: {  	[tilespmem:s16], [sflag:$0x2] =	stream.indirect.gather [hbm4b:s4+s20], $0x80, s26, s20, $0xb8;
	[tilespmem:$0x10400] =	vst v63  }
0x8f: {  	_ = 	snop  }
0x90: {  	[tilespmem:s12], [sflag:$0x3] =	stream.indirect.gather [hbm4b:s7+s20], $0x80, s25, s20, $0xb8;
	[tilespmem:$0x10400] =	vst v63  }
0x91: {  	_ = 	snop  }
0x92: {  	[tilespmem:s10], [sflag:$0x4] =	stream.indirect.gather [hbm4b:s8+s20], $0x80, s26, s20, $0xb8;
	[tilespmem:$0x10400] =	vst v63  }
0x93: {  	_ =	swait.ge [sflag:s21], $0x4000  }
0x94: {  	[sflag:s21] =	ssyncset.done $0x0  }
0x95: {  	[sflag:s21] =	ssyncadd.s32 $0xFFFFC000  }
0x96: {  	[hbm4b:s14+s2] =	stream.linear.scatter [tilespmem:s18], [sflag:$0x5], $0x4000, $0x38;
	[tilespmem:$0x10400] =	vst v63  }
0x97: {  	_ =	swait.ge [sflag:s5], $0x4000  }
0x98: {  	[sflag:s5] =	ssyncset.done $0x0  }
0x99: {  	[sflag:s5] =	ssyncadd.s32 $0xFFFFC000  }
0x9a: {  	_ =	swait.ge [sflag:s17], $0x4000  }
0x9b: {  	[sflag:s17] =	ssyncset.done $0x0  }
0x9c: {  	[sflag:s17] =	ssyncadd.s32 $0xFFFFC000  }
0x9d: {  	[hbm4b:s11+s2] =	stream.linear.scatter [tilespmem:s16], [sflag:$0x5], $0x4000, $0x38;
	[tilespmem:$0x10400] =	vst v63  }
0x9e: {  	_ =	swait.ge [sflag:s5], $0x4000  }
0x9f: {  	[sflag:s5] =	ssyncset.done $0x0  }
0xa0: {  	[sflag:s5] =	ssyncadd.s32 $0xFFFFC000  }
0xa1: {  	_ =	swait.ge [sflag:s15], $0x4000  }
0xa2: {  	[sflag:s15] =	ssyncset.done $0x0  }
0xa3: {  	[sflag:s15] =	ssyncadd.s32 $0xFFFFC000  }
0xa4: {  	[hbm4b:s9+s2] =	stream.linear.scatter [tilespmem:s12], [sflag:$0x5], $0x4000, $0x38;
	[tilespmem:$0x10400] =	vst v63  }
0xa5: {  	_ =	swait.ge [sflag:s5], $0x4000  }
0xa6: {  	[sflag:s5] =	ssyncset.done $0x0  }
0xa7: {  	[sflag:s5] =	ssyncadd.s32 $0xFFFFC000  }
0xa8: {  	p1 =	sne.s32 s0, $0x1;
	_ =	swait.ge [sflag:s13], $0x4000  }
.Ltmp1:
0xa9: {  	[sflag:s13] =	ssyncset.done $0x0;
	(pc) =	sbr.rel @!p1 .LBB2_3-.Ltmp1, $4  }
0xaa: {  	[sflag:s13] =	ssyncadd.s32 $0xFFFFC000  }
0xab: {  	[hbm4b:s6+s2] =	stream.linear.scatter [tilespmem:s10], [sflag:$0x5], $0x4000, $0x38;
	[tilespmem:$0x10400] =	vst v63  }
0xac: {  	s0 =	sadd.s32 $0xFFFFFFFF, s0;
	_ =	swait.ge [sflag:s5], $0x4000  }
0xad: {  	p0 =	por $0x1, $0x1;
	s1 =	rddreg [dreg:$0x2];
	[sflag:s5] =	ssyncset.done $0x0  }
.LBB2_2:
0xae: {  	[sflag:s5] =	ssyncadd.s32 $0xFFFFC000  }
0xaf: {  	[tilespmem:s2], [sflag:$0x5] =	stream.linear.gather [hbm4b:s1+s2], $0x200, $0x38;
	[tilespmem:$0x10400] =	vst v63  }
0xb0: {  	_ =	swait.ge [sflag:s5], $0x200  }
0xb1: {  	[sflag:s5] =	ssyncset.done $0x0  }
0xb2: {  	s1 =	rddreg [dreg:$0x3];
	[sflag:s5] =	ssyncadd.s32 $0xFFFFFE00  }
0xb3: {  	[tilespmem:s31], [sflag:$0x5] =	stream.linear.gather [hbm4b:s1+s2], $0x200, $0x38;
	[tilespmem:$0x10400] =	vst v63  }
0xb4: {  	_ =	swait.ge [sflag:s5], $0x200  }
0xb5: {  	[sflag:s5] =	ssyncset.done $0x0  }
0xb6: {  	[sflag:s5] =	ssyncadd.s32 $0xFFFFFE00  }
0xb7: {  	[tilespmem:s18], [sflag:$0x1] =	stream.indirect.gather [hbm4b:s3+s20], $0x80, s2, s20, $0xb8;
	[tilespmem:$0x10400] =	vst v63  }
0xb8: {  	_ = 	snop  }
0xb9: {  	[tilespmem:s16], [sflag:$0x2] =	stream.indirect.gather [hbm4b:s4+s20], $0x80, s31, s20, $0xb8;
	[tilespmem:$0x10400] =	vst v63  }
0xba: {  	_ = 	snop  }
0xbb: {  	[tilespmem:s12], [sflag:$0x3] =	stream.indirect.gather [hbm4b:s7+s20], $0x80, s2, s20, $0xb8;
	[tilespmem:$0x10400] =	vst v63  }
0xbc: {  	_ = 	snop  }
0xbd: {  	[tilespmem:s10], [sflag:$0x4] =	stream.indirect.gather [hbm4b:s8+s20], $0x80, s31, s20, $0xb8;
	[tilespmem:$0x10400] =	vst v63  }
0xbe: {  	_ =	swait.ge [sflag:s21], $0x4000  }
0xbf: {  	[sflag:s21] =	ssyncset.done $0x0  }
0xc0: {  	s1 =	rddreg [dreg:$0x4];
	[sflag:s21] =	ssyncadd.s32 $0xFFFFC000  }
0xc1: {  	[hbm4b:s1+s2] =	stream.linear.scatter [tilespmem:s18], [sflag:$0x5], $0x4000, $0x38;
	[tilespmem:$0x10400] =	vst v63  }
0xc2: {  	_ =	swait.ge [sflag:s5], $0x4000  }
0xc3: {  	[sflag:s5] =	ssyncset.done $0x0  }
0xc4: {  	[sflag:s5] =	ssyncadd.s32 $0xFFFFC000  }
0xc5: {  	_ =	swait.ge [sflag:s17], $0x4000  }
0xc6: {  	[sflag:s17] =	ssyncset.done $0x0  }
0xc7: {  	s1 =	rddreg [dreg:$0x5];
	[sflag:s17] =	ssyncadd.s32 $0xFFFFC000  }
0xc8: {  	[hbm4b:s1+s2] =	stream.linear.scatter [tilespmem:s16], [sflag:$0x5], $0x4000, $0x38;
	[tilespmem:$0x10400] =	vst v63  }
0xc9: {  	_ =	swait.ge [sflag:s5], $0x4000  }
0xca: {  	[sflag:s5] =	ssyncset.done $0x0  }
0xcb: {  	[sflag:s5] =	ssyncadd.s32 $0xFFFFC000  }
0xcc: {  	_ =	swait.ge [sflag:s15], $0x4000  }
0xcd: {  	[sflag:s15] =	ssyncset.done $0x0  }
0xce: {  	s1 =	rddreg [dreg:$0x6];
	[sflag:s15] =	ssyncadd.s32 $0xFFFFC000  }
0xcf: {  	[hbm4b:s1+s2] =	stream.linear.scatter [tilespmem:s12], [sflag:$0x5], $0x4000, $0x38;
	[tilespmem:$0x10400] =	vst v63  }
0xd0: {  	_ =	swait.ge [sflag:s5], $0x4000  }
0xd1: {  	[sflag:s5] =	ssyncset.done $0x0  }
0xd2: {  	[sflag:s5] =	ssyncadd.s32 $0xFFFFC000  }
0xd3: {  	_ =	swait.ge [sflag:s13], $0x4000  }
0xd4: {  	[sflag:s13] =	ssyncset.done $0x0  }
0xd5: {  	s1 =	rddreg [dreg:$0x7];
	[sflag:s13] =	ssyncadd.s32 $0xFFFFC000  }
0xd6: {  	[hbm4b:s1+s2] =	stream.linear.scatter [tilespmem:s10], [sflag:$0x5], $0x4000, $0x38;
	[tilespmem:$0x10400] =	vst v63  }
0xd7: {  	_ =	swait.ge [sflag:s5], $0x4000  }
0xd8: {  	[sflag:s5] =	ssyncset.done $0x0  }
0xd9: {  	[sflag:s5] =	ssyncadd.s32 $0xFFFFC000  }
0xda: {  	[tilespmem:s18], [sflag:$0x1] =	stream.indirect.gather [hbm4b:s3+s20], $0x80, s20, s20, $0xb8;
	[tilespmem:$0x10400] =	vst v63  }
0xdb: {  	_ = 	snop  }
0xdc: {  	[tilespmem:s16], [sflag:$0x2] =	stream.indirect.gather [hbm4b:s4+s20], $0x80, s30, s20, $0xb8;
	[tilespmem:$0x10400] =	vst v63  }
0xdd: {  	_ = 	snop  }
0xde: {  	[tilespmem:s12], [sflag:$0x3] =	stream.indirect.gather [hbm4b:s7+s20], $0x80, s20, s20, $0xb8;
	[tilespmem:$0x10400] =	vst v63  }
0xdf: {  	_ = 	snop  }
0xe0: {  	[tilespmem:s10], [sflag:$0x4] =	stream.indirect.gather [hbm4b:s8+s20], $0x80, s30, s20, $0xb8;
	[tilespmem:$0x10400] =	vst v63  }
0xe1: {  	_ =	swait.ge [sflag:s21], $0x4000  }
0xe2: {  	[sflag:s21] =	ssyncset.done $0x0  }
0xe3: {  	s1 =	rddreg [dreg:$0x8];
	[sflag:s21] =	ssyncadd.s32 $0xFFFFC000  }
0xe4: {  	[hbm4b:s1+s2] =	stream.linear.scatter [tilespmem:s18], [sflag:$0x5], $0x4000, $0x38;
	[tilespmem:$0x10400] =	vst v63  }
0xe5: {  	_ =	swait.ge [sflag:s5], $0x4000  }
0xe6: {  	[sflag:s5] =	ssyncset.done $0x0  }
0xe7: {  	[sflag:s5] =	ssyncadd.s32 $0xFFFFC000  }
0xe8: {  	_ =	swait.ge [sflag:s17], $0x4000  }
0xe9: {  	[sflag:s17] =	ssyncset.done $0x0  }
0xea: {  	s1 =	rddreg [dreg:$0x9];
	[sflag:s17] =	ssyncadd.s32 $0xFFFFC000  }
0xeb: {  	[hbm4b:s1+s2] =	stream.linear.scatter [tilespmem:s16], [sflag:$0x5], $0x4000, $0x38;
	[tilespmem:$0x10400] =	vst v63  }
0xec: {  	_ =	swait.ge [sflag:s5], $0x4000  }
0xed: {  	[sflag:s5] =	ssyncset.done $0x0  }
0xee: {  	[sflag:s5] =	ssyncadd.s32 $0xFFFFC000  }
0xef: {  	_ =	swait.ge [sflag:s15], $0x4000  }
0xf0: {  	[sflag:s15] =	ssyncset.done $0x0  }
0xf1: {  	s1 =	rddreg [dreg:$0xa];
	[sflag:s15] =	ssyncadd.s32 $0xFFFFC000  }
0xf2: {  	[hbm4b:s1+s2] =	stream.linear.scatter [tilespmem:s12], [sflag:$0x5], $0x4000, $0x38;
	[tilespmem:$0x10400] =	vst v63  }
0xf3: {  	_ =	swait.ge [sflag:s5], $0x4000  }
0xf4: {  	[sflag:s5] =	ssyncset.done $0x0  }
0xf5: {  	[sflag:s5] =	ssyncadd.s32 $0xFFFFC000  }
0xf6: {  	_ =	swait.ge [sflag:s13], $0x4000  }
0xf7: {  	[sflag:s13] =	ssyncset.done $0x0  }
0xf8: {  	s1 =	rddreg [dreg:$0xb];
	[sflag:s13] =	ssyncadd.s32 $0xFFFFC000  }
0xf9: {  	[hbm4b:s1+s2] =	stream.linear.scatter [tilespmem:s10], [sflag:$0x5], $0x4000, $0x38;
	[tilespmem:$0x10400] =	vst v63  }
0xfa: {  	_ =	swait.ge [sflag:s5], $0x4000  }
0xfb: {  	[sflag:s5] =	ssyncset.done $0x0  }
0xfc: {  	[sflag:s5] =	ssyncadd.s32 $0xFFFFC000  }
0xfd: {  	[tilespmem:s18], [sflag:$0x1] =	stream.indirect.gather [hbm4b:s3+s20], $0x80, s28, s20, $0xb8;
	[tilespmem:$0x10400] =	vst v63  }
0xfe: {  	_ = 	snop  }
0xff: {  	[tilespmem:s16], [sflag:$0x2] =	stream.indirect.gather [hbm4b:s4+s20], $0x80, s29, s20, $0xb8;
	[tilespmem:$0x10400] =	vst v63  }
0x100: {  	_ = 	snop  }
0x101: {  	[tilespmem:s12], [sflag:$0x3] =	stream.indirect.gather [hbm4b:s7+s20], $0x80, s28, s20, $0xb8;
	[tilespmem:$0x10400] =	vst v63  }
0x102: {  	_ = 	snop  }
0x103: {  	[tilespmem:s10], [sflag:$0x4] =	stream.indirect.gather [hbm4b:s8+s20], $0x80, s29, s20, $0xb8;
	[tilespmem:$0x10400] =	vst v63  }
0x104: {  	_ =	swait.ge [sflag:s21], $0x4000  }
0x105: {  	[sflag:s21] =	ssyncset.done $0x0  }
0x106: {  	[sflag:s21] =	ssyncadd.s32 $0xFFFFC000  }
0x107: {  	[hbm4b:s24+s2] =	stream.linear.scatter [tilespmem:s18], [sflag:$0x5], $0x4000, $0x38;
	[tilespmem:$0x10400] =	vst v63  }
0x108: {  	_ =	swait.ge [sflag:s5], $0x4000  }
0x109: {  	[sflag:s5] =	ssyncset.done $0x0  }
0x10a: {  	[sflag:s5] =	ssyncadd.s32 $0xFFFFC000  }
0x10b: {  	_ =	swait.ge [sflag:s17], $0x4000  }
0x10c: {  	[sflag:s17] =	ssyncset.done $0x0  }
0x10d: {  	[sflag:s17] =	ssyncadd.s32 $0xFFFFC000  }
0x10e: {  	[hbm4b:s23+s2] =	stream.linear.scatter [tilespmem:s16], [sflag:$0x5], $0x4000, $0x38;
	[tilespmem:$0x10400] =	vst v63  }
0x10f: {  	_ =	swait.ge [sflag:s5], $0x4000  }
0x110: {  	[sflag:s5] =	ssyncset.done $0x0  }
0x111: {  	[sflag:s5] =	ssyncadd.s32 $0xFFFFC000  }
0x112: {  	_ =	swait.ge [sflag:s15], $0x4000  }
0x113: {  	[sflag:s15] =	ssyncset.done $0x0  }
0x114: {  	[sflag:s15] =	ssyncadd.s32 $0xFFFFC000  }
0x115: {  	[hbm4b:s22+s2] =	stream.linear.scatter [tilespmem:s12], [sflag:$0x5], $0x4000, $0x38;
	[tilespmem:$0x10400] =	vst v63  }
0x116: {  	_ =	swait.ge [sflag:s5], $0x4000  }
0x117: {  	[sflag:s5] =	ssyncset.done $0x0  }
0x118: {  	[sflag:s5] =	ssyncadd.s32 $0xFFFFC000  }
0x119: {  	_ =	swait.ge [sflag:s13], $0x4000  }
0x11a: {  	[sflag:s13] =	ssyncset.done $0x0  }
0x11b: {  	[sflag:s13] =	ssyncadd.s32 $0xFFFFC000  }
0x11c: {  	[hbm4b:s19+s2] =	stream.linear.scatter [tilespmem:s10], [sflag:$0x5], $0x4000, $0x38;
	[tilespmem:$0x10400] =	vst v63  }
0x11d: {  	_ =	swait.ge [sflag:s5], $0x4000  }
0x11e: {  	[sflag:s5] =	ssyncset.done $0x0  }
0x11f: {  	[sflag:s5] =	ssyncadd.s32 $0xFFFFC000  }
0x120: {  	[tilespmem:s18], [sflag:$0x1] =	stream.indirect.gather [hbm4b:s3+s20], $0x80, s25, s20, $0xb8;
	[tilespmem:$0x10400] =	vst v63  }
0x121: {  	_ = 	snop  }
0x122: {  	[tilespmem:s16], [sflag:$0x2] =	stream.indirect.gather [hbm4b:s4+s20], $0x80, s26, s20, $0xb8;
	[tilespmem:$0x10400] =	vst v63  }
0x123: {  	_ = 	snop  }
0x124: {  	[tilespmem:s12], [sflag:$0x3] =	stream.indirect.gather [hbm4b:s7+s20], $0x80, s25, s20, $0xb8;
	[tilespmem:$0x10400] =	vst v63  }
0x125: {  	_ = 	snop  }
0x126: {  	[tilespmem:s10], [sflag:$0x4] =	stream.indirect.gather [hbm4b:s8+s20], $0x80, s26, s20, $0xb8;
	[tilespmem:$0x10400] =	vst v63  }
0x127: {  	_ =	swait.ge [sflag:s21], $0x4000  }
0x128: {  	[sflag:s21] =	ssyncset.done $0x0  }
0x129: {  	[sflag:s21] =	ssyncadd.s32 $0xFFFFC000  }
0x12a: {  	[hbm4b:s14+s2] =	stream.linear.scatter [tilespmem:s18], [sflag:$0x5], $0x4000, $0x38;
	[tilespmem:$0x10400] =	vst v63  }
0x12b: {  	_ =	swait.ge [sflag:s5], $0x4000  }
0x12c: {  	[sflag:s5] =	ssyncset.done $0x0  }
0x12d: {  	[sflag:s5] =	ssyncadd.s32 $0xFFFFC000  }
0x12e: {  	_ =	swait.ge [sflag:s17], $0x4000  }
0x12f: {  	[sflag:s17] =	ssyncset.done $0x0  }
0x130: {  	[sflag:s17] =	ssyncadd.s32 $0xFFFFC000  }
0x131: {  	[hbm4b:s11+s2] =	stream.linear.scatter [tilespmem:s16], [sflag:$0x5], $0x4000, $0x38;
	[tilespmem:$0x10400] =	vst v63  }
0x132: {  	_ =	swait.ge [sflag:s5], $0x4000  }
0x133: {  	[sflag:s5] =	ssyncset.done $0x0  }
0x134: {  	[sflag:s5] =	ssyncadd.s32 $0xFFFFC000  }
0x135: {  	_ =	swait.ge [sflag:s15], $0x4000  }
0x136: {  	[sflag:s15] =	ssyncset.done $0x0  }
0x137: {  	[sflag:s15] =	ssyncadd.s32 $0xFFFFC000  }
0x138: {  	[hbm4b:s9+s2] =	stream.linear.scatter [tilespmem:s12], [sflag:$0x5], $0x4000, $0x38;
	[tilespmem:$0x10400] =	vst v63  }
0x139: {  	_ =	swait.ge [sflag:s5], $0x4000  }
0x13a: {  	[sflag:s5] =	ssyncset.done $0x0  }
0x13b: {  	[sflag:s5] =	ssyncadd.s32 $0xFFFFC000  }
0x13c: {  	p1 =	sne.s32 s0, $0x1;
	_ =	swait.ge [sflag:s13], $0x4000  }
.Ltmp2:
0x13d: {  	[sflag:s13] =	ssyncset.done $0x0;
	(pc) =	sbr.rel @p1 .LBB2_2-.Ltmp2, $4  }
0x13e: {  	[sflag:s13] =	ssyncadd.s32 $0xFFFFC000  }
0x13f: {  	[hbm4b:s6+s2] =	stream.linear.scatter [tilespmem:s10], [sflag:$0x5], $0x4000, $0x38;
	[tilespmem:$0x10400] =	vst v63  }
0x140: {  	_ =	swait.ge [sflag:s5], $0x4000  }
0x141: {  	s0 =	sadd.s32 $0xFFFFFFFF, s0;
	s1 =	rddreg [dreg:$0x2];
	[sflag:s5] =	ssyncset.done $0x0  }
.LBB2_3:
0x142: {  	[sflag:s5] =	ssyncadd.s32 @p0 $0xFFFFC000  }
0x143: {  	[tilespmem:s2], [sflag:$0x5] =	stream.linear.gather [hbm4b:s1+s2], $0x200, $0x38;
	[tilespmem:$0x10400] =	vst v63  }
0x144: {  	_ =	swait.ge [sflag:s5], $0x200  }
0x145: {  	[sflag:s5] =	ssyncset.done $0x0  }
0x146: {  	s0 =	rddreg [dreg:$0x3];
	[sflag:s5] =	ssyncadd.s32 $0xFFFFFE00  }
0x147: {  	[tilespmem:s31], [sflag:$0x5] =	stream.linear.gather [hbm4b:s0+s2], $0x200, $0x38;
	[tilespmem:$0x10400] =	vst v63  }
0x148: {  	_ =	swait.ge [sflag:s5], $0x200  }
0x149: {  	[sflag:s5] =	ssyncset.done $0x0  }
0x14a: {  	[sflag:s5] =	ssyncadd.s32 $0xFFFFFE00  }
0x14b: {  	[tilespmem:s18], [sflag:$0x1] =	stream.indirect.gather [hbm4b:s3+s20], $0x80, s2, s20, $0xb8;
	[tilespmem:$0x10400] =	vst v63  }
0x14c: {  	_ = 	snop  }
0x14d: {  	[tilespmem:s16], [sflag:$0x2] =	stream.indirect.gather [hbm4b:s4+s20], $0x80, s31, s20, $0xb8;
	[tilespmem:$0x10400] =	vst v63  }
0x14e: {  	_ = 	snop  }
0x14f: {  	[tilespmem:s12], [sflag:$0x3] =	stream.indirect.gather [hbm4b:s7+s20], $0x80, s2, s20, $0xb8;
	[tilespmem:$0x10400] =	vst v63  }
0x150: {  	_ = 	snop  }
0x151: {  	[tilespmem:s10], [sflag:$0x4] =	stream.indirect.gather [hbm4b:s8+s20], $0x80, s31, s20, $0xb8;
	[tilespmem:$0x10400] =	vst v63  }
0x152: {  	_ =	swait.ge [sflag:s21], $0x4000  }
0x153: {  	[sflag:s21] =	ssyncset.done $0x0  }
0x154: {  	s31 =	rddreg [dreg:$0x4];
	[sflag:s21] =	ssyncadd.s32 $0xFFFFC000  }
0x155: {  	[hbm4b:s31+s2] =	stream.linear.scatter [tilespmem:s18], [sflag:$0x5], $0x4000, $0x38;
	[tilespmem:$0x10400] =	vst v63  }
0x156: {  	_ =	swait.ge [sflag:s5], $0x4000  }
0x157: {  	[sflag:s5] =	ssyncset.done $0x0  }
0x158: {  	[sflag:s5] =	ssyncadd.s32 $0xFFFFC000  }
0x159: {  	_ =	swait.ge [sflag:s17], $0x4000  }
0x15a: {  	[sflag:s17] =	ssyncset.done $0x0  }
0x15b: {  	s1 =	rddreg [dreg:$0x5];
	[sflag:s17] =	ssyncadd.s32 $0xFFFFC000  }
0x15c: {  	[hbm4b:s1+s2] =	stream.linear.scatter [tilespmem:s16], [sflag:$0x5], $0x4000, $0x38;
	[tilespmem:$0x10400] =	vst v63  }
0x15d: {  	_ =	swait.ge [sflag:s5], $0x4000  }
0x15e: {  	[sflag:s5] =	ssyncset.done $0x0  }
0x15f: {  	[sflag:s5] =	ssyncadd.s32 $0xFFFFC000  }
0x160: {  	_ =	swait.ge [sflag:s15], $0x4000  }
0x161: {  	[sflag:s15] =	ssyncset.done $0x0  }
0x162: {  	s31 =	rddreg [dreg:$0x6];
	[sflag:s15] =	ssyncadd.s32 $0xFFFFC000  }
0x163: {  	[hbm4b:s31+s2] =	stream.linear.scatter [tilespmem:s12], [sflag:$0x5], $0x4000, $0x38;
	[tilespmem:$0x10400] =	vst v63  }
0x164: {  	_ =	swait.ge [sflag:s5], $0x4000  }
0x165: {  	[sflag:s5] =	ssyncset.done $0x0  }
0x166: {  	[sflag:s5] =	ssyncadd.s32 $0xFFFFC000  }
0x167: {  	_ =	swait.ge [sflag:s13], $0x4000  }
0x168: {  	[sflag:s13] =	ssyncset.done $0x0  }
0x169: {  	s1 =	rddreg [dreg:$0x7];
	[sflag:s13] =	ssyncadd.s32 $0xFFFFC000  }
0x16a: {  	[hbm4b:s1+s2] =	stream.linear.scatter [tilespmem:s10], [sflag:$0x5], $0x4000, $0x38;
	[tilespmem:$0x10400] =	vst v63  }
0x16b: {  	_ =	swait.ge [sflag:s5], $0x4000  }
0x16c: {  	[sflag:s5] =	ssyncset.done $0x0  }
0x16d: {  	[sflag:s5] =	ssyncadd.s32 $0xFFFFC000  }
0x16e: {  	[tilespmem:s18], [sflag:$0x1] =	stream.indirect.gather [hbm4b:s3+s20], $0x80, s20, s20, $0xb8;
	[tilespmem:$0x10400] =	vst v63  }
0x16f: {  	_ = 	snop  }
0x170: {  	[tilespmem:s16], [sflag:$0x2] =	stream.indirect.gather [hbm4b:s4+s20], $0x80, s30, s20, $0xb8;
	[tilespmem:$0x10400] =	vst v63  }
0x171: {  	_ = 	snop  }
0x172: {  	[tilespmem:s12], [sflag:$0x3] =	stream.indirect.gather [hbm4b:s7+s20], $0x80, s20, s20, $0xb8;
	[tilespmem:$0x10400] =	vst v63  }
0x173: {  	_ = 	snop  }
0x174: {  	[tilespmem:s10], [sflag:$0x4] =	stream.indirect.gather [hbm4b:s8+s20], $0x80, s30, s20, $0xb8;
	[tilespmem:$0x10400] =	vst v63  }
0x175: {  	_ =	swait.ge [sflag:s21], $0x4000  }
0x176: {  	[sflag:s21] =	ssyncset.done $0x0  }
0x177: {  	s30 =	rddreg [dreg:$0x8];
	[sflag:s21] =	ssyncadd.s32 $0xFFFFC000  }
0x178: {  	[hbm4b:s30+s2] =	stream.linear.scatter [tilespmem:s18], [sflag:$0x5], $0x4000, $0x38;
	[tilespmem:$0x10400] =	vst v63  }
0x179: {  	_ =	swait.ge [sflag:s5], $0x4000  }
0x17a: {  	[sflag:s5] =	ssyncset.done $0x0  }
0x17b: {  	[sflag:s5] =	ssyncadd.s32 $0xFFFFC000  }
0x17c: {  	_ =	swait.ge [sflag:s17], $0x4000  }
0x17d: {  	[sflag:s17] =	ssyncset.done $0x0  }
0x17e: {  	s31 =	rddreg [dreg:$0x9];
	[sflag:s17] =	ssyncadd.s32 $0xFFFFC000  }
0x17f: {  	[hbm4b:s31+s2] =	stream.linear.scatter [tilespmem:s16], [sflag:$0x5], $0x4000, $0x38;
	[tilespmem:$0x10400] =	vst v63  }
0x180: {  	_ =	swait.ge [sflag:s5], $0x4000  }
0x181: {  	[sflag:s5] =	ssyncset.done $0x0  }
0x182: {  	[sflag:s5] =	ssyncadd.s32 $0xFFFFC000  }
0x183: {  	_ =	swait.ge [sflag:s15], $0x4000  }
0x184: {  	[sflag:s15] =	ssyncset.done $0x0  }
0x185: {  	s1 =	rddreg [dreg:$0xa];
	[sflag:s15] =	ssyncadd.s32 $0xFFFFC000  }
0x186: {  	[hbm4b:s1+s2] =	stream.linear.scatter [tilespmem:s12], [sflag:$0x5], $0x4000, $0x38;
	[tilespmem:$0x10400] =	vst v63  }
0x187: {  	_ =	swait.ge [sflag:s5], $0x4000  }
0x188: {  	[sflag:s5] =	ssyncset.done $0x0  }
0x189: {  	[sflag:s5] =	ssyncadd.s32 $0xFFFFC000  }
0x18a: {  	_ =	swait.ge [sflag:s13], $0x4000  }
0x18b: {  	[sflag:s13] =	ssyncset.done $0x0  }
0x18c: {  	s30 =	rddreg [dreg:$0xb];
	[sflag:s13] =	ssyncadd.s32 $0xFFFFC000  }
0x18d: {  	[hbm4b:s30+s2] =	stream.linear.scatter [tilespmem:s10], [sflag:$0x5], $0x4000, $0x38;
	[tilespmem:$0x10400] =	vst v63  }
0x18e: {  	_ =	swait.ge [sflag:s5], $0x4000  }
0x18f: {  	[sflag:s5] =	ssyncset.done $0x0  }
0x190: {  	[sflag:s5] =	ssyncadd.s32 $0xFFFFC000  }
0x191: {  	[tilespmem:s18], [sflag:$0x1] =	stream.indirect.gather [hbm4b:s3+s20], $0x80, s28, s20, $0xb8;
	[tilespmem:$0x10400] =	vst v63  }
0x192: {  	_ = 	snop  }
0x193: {  	[tilespmem:s16], [sflag:$0x2] =	stream.indirect.gather [hbm4b:s4+s20], $0x80, s29, s20, $0xb8;
	[tilespmem:$0x10400] =	vst v63  }
0x194: {  	_ = 	snop  }
0x195: {  	[tilespmem:s12], [sflag:$0x3] =	stream.indirect.gather [hbm4b:s7+s20], $0x80, s28, s20, $0xb8;
	[tilespmem:$0x10400] =	vst v63  }
0x196: {  	_ = 	snop  }
0x197: {  	[tilespmem:s10], [sflag:$0x4] =	stream.indirect.gather [hbm4b:s8+s20], $0x80, s29, s20, $0xb8;
	[tilespmem:$0x10400] =	vst v63  }
0x198: {  	_ =	swait.ge [sflag:s21], $0x4000  }
0x199: {  	[sflag:s21] =	ssyncset.done $0x0  }
0x19a: {  	[sflag:s21] =	ssyncadd.s32 $0xFFFFC000  }
0x19b: {  	[hbm4b:s24+s2] =	stream.linear.scatter [tilespmem:s18], [sflag:$0x5], $0x4000, $0x38;
	[tilespmem:$0x10400] =	vst v63  }
0x19c: {  	_ =	swait.ge [sflag:s5], $0x4000  }
0x19d: {  	[sflag:s5] =	ssyncset.done $0x0  }
0x19e: {  	[sflag:s5] =	ssyncadd.s32 $0xFFFFC000  }
0x19f: {  	_ =	swait.ge [sflag:s17], $0x4000  }
0x1a0: {  	[sflag:s17] =	ssyncset.done $0x0  }
0x1a1: {  	[sflag:s17] =	ssyncadd.s32 $0xFFFFC000  }
0x1a2: {  	[hbm4b:s23+s2] =	stream.linear.scatter [tilespmem:s16], [sflag:$0x5], $0x4000, $0x38;
	[tilespmem:$0x10400] =	vst v63  }
0x1a3: {  	_ =	swait.ge [sflag:s5], $0x4000  }
0x1a4: {  	[sflag:s5] =	ssyncset.done $0x0  }
0x1a5: {  	[sflag:s5] =	ssyncadd.s32 $0xFFFFC000  }
0x1a6: {  	_ =	swait.ge [sflag:s15], $0x4000  }
0x1a7: {  	[sflag:s15] =	ssyncset.done $0x0  }
0x1a8: {  	[sflag:s15] =	ssyncadd.s32 $0xFFFFC000  }
0x1a9: {  	[hbm4b:s22+s2] =	stream.linear.scatter [tilespmem:s12], [sflag:$0x5], $0x4000, $0x38;
	[tilespmem:$0x10400] =	vst v63  }
0x1aa: {  	_ =	swait.ge [sflag:s5], $0x4000  }
0x1ab: {  	[sflag:s5] =	ssyncset.done $0x0  }
0x1ac: {  	[sflag:s5] =	ssyncadd.s32 $0xFFFFC000  }
0x1ad: {  	_ =	swait.ge [sflag:s13], $0x4000  }
0x1ae: {  	[sflag:s13] =	ssyncset.done $0x0  }
0x1af: {  	[sflag:s13] =	ssyncadd.s32 $0xFFFFC000  }
0x1b0: {  	[hbm4b:s19+s2] =	stream.linear.scatter [tilespmem:s10], [sflag:$0x5], $0x4000, $0x38;
	[tilespmem:$0x10400] =	vst v63  }
0x1b1: {  	_ =	swait.ge [sflag:s5], $0x4000  }
0x1b2: {  	[sflag:s5] =	ssyncset.done $0x0  }
0x1b3: {  	[sflag:s5] =	ssyncadd.s32 $0xFFFFC000  }
0x1b4: {  	[tilespmem:s18], [sflag:$0x1] =	stream.indirect.gather [hbm4b:s3+s20], $0x80, s25, s20, $0xb8;
	[tilespmem:$0x10400] =	vst v63  }
0x1b5: {  	_ = 	snop  }
0x1b6: {  	[tilespmem:s16], [sflag:$0x2] =	stream.indirect.gather [hbm4b:s4+s20], $0x80, s26, s20, $0xb8;
	[tilespmem:$0x10400] =	vst v63  }
0x1b7: {  	_ = 	snop  }
0x1b8: {  	[tilespmem:s12], [sflag:$0x3] =	stream.indirect.gather [hbm4b:s7+s20], $0x80, s25, s20, $0xb8;
	[tilespmem:$0x10400] =	vst v63  }
0x1b9: {  	_ = 	snop  }
0x1ba: {  	[tilespmem:s10], [sflag:$0x4] =	stream.indirect.gather [hbm4b:s8+s20], $0x80, s26, s20, $0xb8;
	[tilespmem:$0x10400] =	vst v63  }
0x1bb: {  	_ =	swait.ge [sflag:s21], $0x4000  }
0x1bc: {  	[sflag:s21] =	ssyncset.done $0x0  }
0x1bd: {  	[sflag:s21] =	ssyncadd.s32 $0xFFFFC000  }
0x1be: {  	[hbm4b:s14+s2] =	stream.linear.scatter [tilespmem:s18], [sflag:$0x5], $0x4000, $0x38;
	[tilespmem:$0x10400] =	vst v63  }
0x1bf: {  	_ =	swait.ge [sflag:s5], $0x4000  }
0x1c0: {  	[sflag:s5] =	ssyncset.done $0x0  }
0x1c1: {  	[sflag:s5] =	ssyncadd.s32 $0xFFFFC000  }
0x1c2: {  	_ =	swait.ge [sflag:s17], $0x4000  }
0x1c3: {  	[sflag:s17] =	ssyncset.done $0x0  }
0x1c4: {  	[sflag:s17] =	ssyncadd.s32 $0xFFFFC000  }
0x1c5: {  	[hbm4b:s11+s2] =	stream.linear.scatter [tilespmem:s16], [sflag:$0x5], $0x4000, $0x38;
	[tilespmem:$0x10400] =	vst v63  }
0x1c6: {  	_ =	swait.ge [sflag:s5], $0x4000  }
0x1c7: {  	[sflag:s5] =	ssyncset.done $0x0  }
0x1c8: {  	[sflag:s5] =	ssyncadd.s32 $0xFFFFC000  }
0x1c9: {  	_ =	swait.ge [sflag:s15], $0x4000  }
0x1ca: {  	[sflag:s15] =	ssyncset.done $0x0  }
0x1cb: {  	[sflag:s15] =	ssyncadd.s32 $0xFFFFC000  }
0x1cc: {  	[hbm4b:s9+s2] =	stream.linear.scatter [tilespmem:s12], [sflag:$0x5], $0x4000, $0x38;
	[tilespmem:$0x10400] =	vst v63  }
0x1cd: {  	_ =	swait.ge [sflag:s5], $0x4000  }
0x1ce: {  	[sflag:s5] =	ssyncset.done $0x0  }
0x1cf: {  	[sflag:s5] =	ssyncadd.s32 $0xFFFFC000  }
0x1d0: {  	_ =	swait.ge [sflag:s13], $0x4000  }
0x1d1: {  	[sflag:s13] =	ssyncset.done $0x0  }
0x1d2: {  	[sflag:s13] =	ssyncadd.s32 $0xFFFFC000  }
0x1d3: {  	[hbm4b:s6+s2] =	stream.linear.scatter [tilespmem:s10], [sflag:$0x5], $0x4000, $0x38;
	[tilespmem:$0x10400] =	vst v63  }
0x1d4: {  	_ =	swait.ge [sflag:s5], $0x4000  }
0x1d5: {  	[sflag:s5] =	ssyncset.done $0x0  }
0x1d6: {  	[sflag:s5] =	ssyncadd.s32 $0xFFFFC000  }
0x1d7: {  	_ =	sfence.sel $0x180000  }
0x1d8: {  	[bflag:$0x0] =	sbarrier.arrive $0xFFFF  }
0x1d9: {  	_ =	strace $0x90000047  }
0x1da: {  	s31 =	stileid.u32;
	[bflag:$0x2] =	sbarrier.arrive $0xFFFF  }
0x1db: {  	p0 =	sne.s32 s31, $0x0;
	s0 =	rddreg [dreg:$0x1]  }
0x1dc: {  	s0 =	sadd.s32 @!p0 $0x100000, s0  }
0x1dd: {  	[sflag:s0] =	ssyncadd.tile.s32 @!p0 $0x1;
	_ =	shalt  }
.Lfunc_end2:
_tile_overlayer_lowered:
.L_overlay_start_2:
0x1de: {  	(tag) =	ssettag $0x2  }
0x1df: {  	s0 =	rddreg [dreg:$0x0];
	s2 =	stileid.u32  }
0x1e0: {  	s1 =	rddreg [dreg:$0x1];
	p0 =	sne.s32 s2, $0x0  }
0x1e1: {  	s3 =	rddreg [dreg:$0x2];
	[bflag:$0x3] =	sbarrier.arrive $0xFFFF;
	s2 =	simm.s32 @!p0 $0x1C05  }
0x1e2: {  	[timem:s3], [sflag:s2] =	dma.local @!p0 [hbm:s0], s1  }
0x1e3: {  	s0 =	simm.s32 @!p0 $0x5  }
0x1e4: {  	_ =	swait.ge @!p0 [sflag:s0], s1  }
0x1e5: {  	s1 =	ssub.s32 @!p0 $0x0, s1;
	[sflag:s0] =	ssyncset.done @!p0 $0x0  }
0x1e6: {  	[sflag:s0] =	ssyncadd.s32 @!p0 s1  }
0x1e7: {  	[bflag:$0x3] =	sbarrier.arrive $0xFFFF  }
0x1e8: {  	_ =	shalt  }

</sc_bundles>
